<compile_context>
chip_gen: v7x
topology: tpu7x:2x2x1
jax: 0.10.2.dev20260603
libtpu: 0.0.44.dev20260713+nightly
codegen_flags: <defaults>
</compile_context>

<pallas_src>
import functools

import jax
import jax.numpy as jnp
from jax import lax
from jax.experimental import pallas as pl
from jax.experimental.pallas import tpu as pltpu
from jax.experimental.pallas import tpu_sc as plsc

N = 10000
D = 128
E = 320000
NC = 2
NS = 16
NW = NC * NS
LANES = 128
CHUNKS = 80
HALF = CHUNKS // 2
EPT = CHUNKS * LANES
EPAD = EPT * NW
NPAD = 10112
RPT = NPAD // NS
NDUMMY = N
DEGW = 128

@functools.cache
def _sc_mesh():
    return plsc.VectorSubcoreMesh(core_axis_name="c", subcore_axis_name="s",
                                  num_cores=NC, num_subcores=NS)


def _deg_body(dst3, zeros_w, ones_w, degp, dst_v, ones_v, acc, sem):
    cid = lax.axis_index("c")
    sid = lax.axis_index("s")
    wid = sid * NC + cid
    base = sid * RPT
    pltpu.sync_copy(zeros_w.at[pl.ds(base, RPT)], acc.at[pl.ds(base, RPT)])
    pltpu.sync_copy(dst3.at[wid], dst_v)
    pltpu.sync_copy(ones_w, ones_v)
    plsc.subcore_barrier()

    @pl.loop(0, CHUNKS)
    def _(g):
        pltpu.sync_copy(ones_v, acc.at[dst_v.at[g]], add=True)

    plsc.subcore_barrier()
    pltpu.sync_copy(acc.at[pl.ds(base, RPT)], degp.at[cid, pl.ds(base, RPT)])


@functools.cache
def _deg_call():
    return pl.kernel(
        _deg_body,
        out_type=jax.ShapeDtypeStruct((NC, NPAD, DEGW), jnp.float32),
        mesh=_sc_mesh(),
        scratch_types=[
            pltpu.VMEM((CHUNKS, LANES), jnp.int32),
            pltpu.VMEM((LANES, DEGW), jnp.float32),
            pltpu.VMEM_SHARED((NPAD, DEGW), jnp.float32),
            pltpu.SemaphoreType.DMA,
        ],
    )


def _agg_body(h, src3, dst3, zeros_d, p, src_v, dst_v, rows0, rows1, acc,
              gsem0, gsem1, active=None):
    cid = lax.axis_index("c")
    sid = lax.axis_index("s")
    wid = sid * NC + cid
    base = sid * RPT
    pltpu.sync_copy(zeros_d.at[pl.ds(base, RPT)], acc.at[pl.ds(base, RPT)])
    pltpu.sync_copy(src3.at[wid], src_v)
    plsc.subcore_barrier()

    def main_loop():
        rows = (rows0, rows1)
        gsems = (gsem0, gsem1)
        pltpu.async_copy(h.at[src_v.at[0]], rows0, gsem0)

        for half in range(2):
            pltpu.sync_copy(dst3.at[wid, pl.ds(half * HALF, HALF)], dst_v)

            @pl.loop(0, HALF, step=2)
            def _(g):
                for b in range(2):
                    jl = g + b
                    j = half * HALF + jl
                    pltpu.make_async_copy(h.at[src_v.at[j]], rows[b],
                                          gsems[b]).wait()

                    @pl.when(j + 1 < CHUNKS)
                    def _():
                        pltpu.async_copy(h.at[src_v.at[j + 1]], rows[1 - b],
                                         gsems[1 - b])

                    pltpu.sync_copy(rows[b], acc.at[dst_v.at[jl]], add=True)

    if active is None:
        main_loop()
    else:
        pl.when(cid == active)(main_loop)

    plsc.subcore_barrier()
    pltpu.sync_copy(acc.at[pl.ds(base, RPT)], p.at[cid, pl.ds(base, RPT)])


def _agg_body_c0(*a):
    return _agg_body(*a, active=0)


def _agg_body_c1(*a):
    return _agg_body(*a, active=1)


@functools.cache
def _agg_call(active=None):
    body = {None: _agg_body, 0: _agg_body_c0, 1: _agg_body_c1}[active]
    return pl.kernel(
        body,
        out_type=jax.ShapeDtypeStruct((NC, NPAD, D), jnp.float32),
        mesh=_sc_mesh(),
        scratch_types=[
            pltpu.VMEM((CHUNKS, LANES), jnp.int32),
            pltpu.VMEM((HALF, LANES), jnp.int32),
            pltpu.VMEM((LANES, D), jnp.float32),
            pltpu.VMEM((LANES, D), jnp.float32),
            pltpu.VMEM_SHARED((NPAD, D), jnp.float32),
            pltpu.SemaphoreType.DMA,
            pltpu.SemaphoreType.DMA,
        ],
    )


def _tc1_body(x_ref, w1_ref, degp_ref, h1_ref, dinv_ref):
    degp = degp_ref[...]
    deg = degp[0, :, 0:1] + degp[1, :, 0:1] + 1.0
    rowid = lax.broadcasted_iota(jnp.int32, (NPAD, 1), 0)
    dinv = jnp.where(rowid < N, lax.rsqrt(deg), 0.0)
    h = jnp.dot(x_ref[...], w1_ref[...], preferred_element_type=jnp.float32)
    h1_ref[...] = h * dinv
    dinv_ref[...] = dinv


_tc1 = pl.pallas_call(
    _tc1_body,
    out_shape=(
        jax.ShapeDtypeStruct((NPAD, D), jnp.float32),
        jax.ShapeDtypeStruct((NPAD, 1), jnp.float32),
    ),
)


def _tc2_body(p_ref, h1_ref, dinv_ref, b1_ref, w2_ref, h2_ref):
    p = p_ref[...]
    s = p[0] + p[1] + h1_ref[...]
    dinv = dinv_ref[...]
    x2 = jnp.maximum(s * dinv + b1_ref[...], 0.0)
    h2 = jnp.dot(x2, w2_ref[...], preferred_element_type=jnp.float32)
    h2_ref[...] = h2 * dinv


_tc2 = pl.pallas_call(
    _tc2_body,
    out_shape=jax.ShapeDtypeStruct((NPAD, D), jnp.float32),
)


def _tc3_body(p_ref, h2_ref, dinv_ref, b2_ref, out_ref):
    p = p_ref[...]
    s = p[0] + p[1] + h2_ref[...]
    out_ref[...] = s * dinv_ref[...] + b2_ref[...]


_tc3 = pl.pallas_call(
    _tc3_body,
    out_shape=jax.ShapeDtypeStruct((NPAD, D), jnp.float32),
)


def kernel(edge_index, edge_attr, node_emb, W1, b1, W2, b2):
    src = edge_index[0].astype(jnp.int32)
    dst = edge_index[1].astype(jnp.int32)
    pad = jnp.full((EPAD - E,), NDUMMY, jnp.int32)
    src3 = jnp.concatenate([src, pad]).reshape(NW, CHUNKS, LANES)
    dst3 = jnp.concatenate([dst, pad]).reshape(NW, CHUNKS, LANES)
    xpad = jnp.zeros((NPAD, D), jnp.float32).at[:N].set(node_emb)
    zeros_d = jnp.zeros((NPAD, D), jnp.float32)
    zeros_w = jnp.zeros((NPAD, DEGW), jnp.float32)
    ones_w = jnp.ones((LANES, DEGW), jnp.float32)

    degp = _deg_call()(dst3, zeros_w, ones_w)
    h1p, dinv = _tc1(xpad, W1, degp)
    p1 = _agg_call(0)(h1p, src3, dst3, zeros_d)
    h2p = _tc2(p1, h1p, dinv, b1.reshape(1, D), W2)
    p2 = _agg_call(1)(h2p, src3, dst3, zeros_d)
    outp = _tc3(p2, h2p, dinv, b2.reshape(1, D))
    return outp[:N]

# --- scband reference (transcript-rebuilt; emitter-appended) ---
"""Pipeline reference for scband-gnnmodel-30382598652232 (READ-ONLY COPY).

The authoritative reference and input builder live on the scoring server;
editing this copy changes nothing except your own understanding.
"""

import jax, jax.numpy as jnp
import numpy as np

NUM_NODES = 10000
EMBED_DIM = 128
HIDDEN = 128
NUM_EDGES = 320000
D_EDGE = 16


def _gcn_conv(x, edge_index, W, b):
    n = x.shape[0]
    # linear transform first (as in PyG GCNConv)
    x = x @ W
    # add self loops
    src = jnp.concatenate([edge_index[0], jnp.arange(n, dtype=edge_index.dtype)])
    dst = jnp.concatenate([edge_index[1], jnp.arange(n, dtype=edge_index.dtype)])
    # symmetric normalization
    deg = jnp.zeros((n,), dtype=x.dtype).at[dst].add(1.0)
    deg_inv_sqrt = jnp.where(deg > 0, deg ** -0.5, 0.0)
    norm = deg_inv_sqrt[src] * deg_inv_sqrt[dst]
    msgs = x[src] * norm[:, None]
    out = jnp.zeros_like(x).at[dst].add(msgs)
    return out + b


def setup_inputs(seed: int = 0) -> dict:
    key = jax.random.key(seed)
    k1, k2, k3, k4, k5, k6, k7 = jax.random.split(key, 7)
    edge_index = jax.random.randint(k1, (2, NUM_EDGES), 0, NUM_NODES, dtype=jnp.int64)
    edge_attr = jax.random.normal(k2, (NUM_EDGES, D_EDGE), dtype=jnp.float32)
    node_emb = jax.random.normal(k3, (NUM_NODES, EMBED_DIM), dtype=jnp.float32)
    W1 = jax.random.normal(k4, (EMBED_DIM, HIDDEN), dtype=jnp.float32) * (1.0 / np.sqrt(EMBED_DIM))
    b1 = jnp.zeros((HIDDEN,), dtype=jnp.float32)
    W2 = jax.random.normal(k5, (HIDDEN, HIDDEN), dtype=jnp.float32) * (1.0 / np.sqrt(HIDDEN))
    b2 = jnp.zeros((HIDDEN,), dtype=jnp.float32)
    return {"edge_index": edge_index, "edge_attr": edge_attr, "node_emb": node_emb,
            "W1": W1, "b1": b1, "W2": W2, "b2": b2}


def reference(edge_index, edge_attr, node_emb, W1, b1, W2, b2):
    # x = self.node_embeddings.weight
    x = node_emb
    # x = self.conv1(x, edge_index); x = relu(x)
    x = _gcn_conv(x, edge_index, W1, b1)
    x = jax.nn.relu(x)
    # x = self.conv2(x, edge_index)
    x = _gcn_conv(x, edge_index, W2, b2)
    return x

if __name__ == "__main__":
    import jax
    _d = setup_inputs()
    print(jax.jit(kernel)(*tuple(_d.values())))

</pallas_src>

<mosaic_0001>
#map = affine_map<(d0, d1) -> (0, 0)>
#map1 = affine_map<(d0, d1) -> (0, 0, 0)>
module attributes {stable_mosaic.version = 14 : i64} {
  func.func @_agg_body_c0(%arg0: i32, %arg1: i32, %arg2: memref<10112x128xf32, #tpu.memory_space<hbm>>, %arg3: memref<32x80x128xi32, #tpu.memory_space<hbm>>, %arg4: memref<32x80x128xi32, #tpu.memory_space<hbm>>, %arg5: memref<10112x128xf32, #tpu.memory_space<hbm>>, %arg6: memref<2x10112x128xf32, #tpu.memory_space<hbm>>, %arg7: memref<80x128xi32, #tpu.memory_space<vmem>>, %arg8: memref<40x128xi32, #tpu.memory_space<vmem>>, %arg9: memref<128x128xf32, #tpu.memory_space<vmem>>, %arg10: memref<128x128xf32, #tpu.memory_space<vmem>>, %arg11: memref<10112x128xf32, #tpu.memory_space<vmem_shared>>, %arg12: memref<!tpu.dma_semaphore, #tpu.memory_space<semaphore_mem>>, %arg13: memref<!tpu.dma_semaphore, #tpu.memory_space<semaphore_mem>>) attributes {dimension_semantics = [#tpu.dimension_semantics<core_parallel>, #tpu.dimension_semantics<subcore_parallel>], iteration_bounds = array<i64: 2, 16>, scalar_prefetch = 0 : i64, scratch_operands = 7 : i64, tpu.core_type = #tpu.core_type<sc_vector_subcore>, window_params = [{transform_indices = #map}, {transform_indices = #map1}, {transform_indices = #map1}, {transform_indices = #map}, {transform_indices = #map1}]} {
    %mul3A = arith.constant 2 : i32
    %mul3A_0 = arith.muli %arg1, %mul3A : i32
    %add3A = arith.addi %mul3A_0, %arg0 : i32
    %mul3A_1 = arith.constant 632 : i32
    %mul3A_2 = arith.muli %arg1, %mul3A_1 : i32
    "tpu.region"() ({
      %run_scoped3A = tpu.sem_alloc : memref<!tpu.dma_semaphore, #tpu.memory_space<semaphore_mem>>
      %dma_start3A = arith.constant 0 : i32
      %dma_start3A_6 = tpu.memref_slice %arg11[%mul3A_2, %dma_start3A] : memref<10112x128xf32, #tpu.memory_space<vmem_shared>> -> memref<632x128xf32, #tpu.memory_space<vmem_shared>>
      %dma_start3A_7 = arith.constant 0 : i32
      %dma_start3A_8 = tpu.memref_slice %arg5[%mul3A_2, %dma_start3A_7] : memref<10112x128xf32, #tpu.memory_space<hbm>> -> memref<632x128xf32, #tpu.memory_space<hbm>>
      tpu.enqueue_dma source(%dma_start3A_8 : memref<632x128xf32, #tpu.memory_space<hbm>>) target(%dma_start3A_6 : memref<632x128xf32, #tpu.memory_space<vmem_shared>>) target_semaphore(%run_scoped3A : memref<!tpu.dma_semaphore, #tpu.memory_space<semaphore_mem>>)
      %dma_wait3A = arith.constant 0 : i32
      %dma_wait3A_9 = tpu.memref_slice %arg11[%mul3A_2, %dma_wait3A] : memref<10112x128xf32, #tpu.memory_space<vmem_shared>> -> memref<632x128xf32, #tpu.memory_space<vmem_shared>>
      %dma_wait3A_10 = arith.constant 0 : i32
      %dma_wait3A_11 = tpu.memref_slice %arg5[%mul3A_2, %dma_wait3A_10] : memref<10112x128xf32, #tpu.memory_space<hbm>> -> memref<632x128xf32, #tpu.memory_space<hbm>>
      tpu.wait_dma2 semaphore(%run_scoped3A : memref<!tpu.dma_semaphore, #tpu.memory_space<semaphore_mem>>) src(%dma_wait3A_11 : memref<632x128xf32, #tpu.memory_space<hbm>>) dst(%dma_wait3A_9 : memref<632x128xf32, #tpu.memory_space<vmem_shared>>)
      tpu.yield
    }) : () -> ()
    "tpu.region"() ({
      %run_scoped3A = tpu.sem_alloc : memref<!tpu.dma_semaphore, #tpu.memory_space<semaphore_mem>>
      %dma_start3A = arith.constant 0 : i32
      %dma_start3A_6 = arith.constant 0 : i32
      %dma_start3A_7 = tpu.memref_slice %arg3[%add3A, %dma_start3A, %dma_start3A_6] : memref<32x80x128xi32, #tpu.memory_space<hbm>> -> memref<1x80x128xi32, #tpu.memory_space<hbm>>
      %dma_start3A_8 = tpu.memref_squeeze %dma_start3A_7 : memref<1x80x128xi32, #tpu.memory_space<hbm>> -> memref<80x128xi32, #tpu.memory_space<hbm>>
      %dma_start3A_9 = arith.constant 0 : i32
      %dma_start3A_10 = arith.constant 0 : i32
      %dma_start3A_11 = tpu.memref_slice %arg3[%add3A, %dma_start3A_9, %dma_start3A_10] : memref<32x80x128xi32, #tpu.memory_space<hbm>> -> memref<1x80x128xi32, #tpu.memory_space<hbm>>
      %dma_start3A_12 = tpu.memref_squeeze %dma_start3A_11 : memref<1x80x128xi32, #tpu.memory_space<hbm>> -> memref<80x128xi32, #tpu.memory_space<hbm>>
      tpu.enqueue_dma source(%dma_start3A_12 : memref<80x128xi32, #tpu.memory_space<hbm>>) target(%arg7 : memref<80x128xi32, #tpu.memory_space<vmem>>) target_semaphore(%run_scoped3A : memref<!tpu.dma_semaphore, #tpu.memory_space<semaphore_mem>>)
      %dma_wait3A = arith.constant 0 : i32
      %dma_wait3A_13 = arith.constant 0 : i32
      %dma_wait3A_14 = tpu.memref_slice %arg3[%add3A, %dma_wait3A, %dma_wait3A_13] : memref<32x80x128xi32, #tpu.memory_space<hbm>> -> memref<1x80x128xi32, #tpu.memory_space<hbm>>
      %dma_wait3A_15 = tpu.memref_squeeze %dma_wait3A_14 : memref<1x80x128xi32, #tpu.memory_space<hbm>> -> memref<80x128xi32, #tpu.memory_space<hbm>>
      %dma_wait3A_16 = arith.constant 0 : i32
      %dma_wait3A_17 = arith.constant 0 : i32
      %dma_wait3A_18 = tpu.memref_slice %arg3[%add3A, %dma_wait3A_16, %dma_wait3A_17] : memref<32x80x128xi32, #tpu.memory_space<hbm>> -> memref<1x80x128xi32, #tpu.memory_space<hbm>>
      %dma_wait3A_19 = tpu.memref_squeeze %dma_wait3A_18 : memref<1x80x128xi32, #tpu.memory_space<hbm>> -> memref<80x128xi32, #tpu.memory_space<hbm>>
      tpu.wait_dma2 semaphore(%run_scoped3A : memref<!tpu.dma_semaphore, #tpu.memory_space<semaphore_mem>>) src(%dma_wait3A_19 : memref<80x128xi32, #tpu.memory_space<hbm>>) dst(%arg7 : memref<80x128xi32, #tpu.memory_space<vmem>>)
      tpu.yield
    }) : () -> ()
    %barrier3A = arith.constant 0 : index
    tpu.barrier barrier_id(%barrier3A)
    %eq3A = arith.constant 0 : i32
    %eq3A_3 = arith.cmpi eq, %arg0, %eq3A : i32
    %convert_element_type3A = arith.extui %eq3A_3 : i1 to i32
    %cond3A = arith.constant 0 : i32
    %cond3A_4 = arith.cmpi ne, %convert_element_type3A, %cond3A : i32
    scf.if %cond3A_4 {
      %dma_start3A = arith.constant 0 : i32
      %dma_start3A_6 = arith.constant 0 : i32
      %dma_start3A_7 = tpu.memref_slice %arg7[%dma_start3A, %dma_start3A_6] : memref<80x128xi32, #tpu.memory_space<vmem>> -> memref<1x128xi32, #tpu.memory_space<vmem>>
      %dma_start3A_8 = tpu.memref_squeeze %dma_start3A_7 : memref<1x128xi32, #tpu.memory_space<vmem>> -> memref<128xi32, #tpu.memory_space<vmem>>
      %dma_start3A_9 = arith.constant 0 : i32
      %dma_start3A_10 = arith.constant 0 : i32
      %dma_start3A_11 = tpu.memref_slice %arg2[%dma_start3A_9, %dma_start3A_10] : memref<10112x128xf32, #tpu.memory_space<hbm>> -> memref<10112x128xf32, #tpu.memory_space<hbm>>
      tpu.enqueue_indirect_dma source(%dma_start3A_11 : memref<10112x128xf32, #tpu.memory_space<hbm>>) target(%arg9 : memref<128x128xf32, #tpu.memory_space<vmem>>) offsets(%dma_start3A_8 : memref<128xi32, #tpu.memory_space<vmem>>) semaphore(%arg12 : memref<!tpu.dma_semaphore, #tpu.memory_space<semaphore_mem>>)
      "tpu.region"() ({
        %run_scoped3A = tpu.sem_alloc : memref<!tpu.dma_semaphore, #tpu.memory_space<semaphore_mem>>
        %dma_start3A_21 = arith.constant 0 : i32
        %dma_start3A_22 = arith.constant 0 : i32
        %dma_start3A_23 = tpu.memref_slice %arg4[%add3A, %dma_start3A_21, %dma_start3A_22] : memref<32x80x128xi32, #tpu.memory_space<hbm>> -> memref<1x40x128xi32, #tpu.memory_space<hbm>>
        %dma_start3A_24 = tpu.memref_squeeze %dma_start3A_23 : memref<1x40x128xi32, #tpu.memory_space<hbm>> -> memref<40x128xi32, #tpu.memory_space<hbm>>
        %dma_start3A_25 = arith.constant 0 : i32
        %dma_start3A_26 = arith.constant 0 : i32
        %dma_start3A_27 = tpu.memref_slice %arg4[%add3A, %dma_start3A_25, %dma_start3A_26] : memref<32x80x128xi32, #tpu.memory_space<hbm>> -> memref<1x40x128xi32, #tpu.memory_space<hbm>>
        %dma_start3A_28 = tpu.memref_squeeze %dma_start3A_27 : memref<1x40x128xi32, #tpu.memory_space<hbm>> -> memref<40x128xi32, #tpu.memory_space<hbm>>
        tpu.enqueue_dma source(%dma_start3A_28 : memref<40x128xi32, #tpu.memory_space<hbm>>) target(%arg8 : memref<40x128xi32, #tpu.memory_space<vmem>>) target_semaphore(%run_scoped3A : memref<!tpu.dma_semaphore, #tpu.memory_space<semaphore_mem>>)
        %dma_wait3A = arith.constant 0 : i32
        %dma_wait3A_29 = arith.constant 0 : i32
        %dma_wait3A_30 = tpu.memref_slice %arg4[%add3A, %dma_wait3A, %dma_wait3A_29] : memref<32x80x128xi32, #tpu.memory_space<hbm>> -> memref<1x40x128xi32, #tpu.memory_space<hbm>>
        %dma_wait3A_31 = tpu.memref_squeeze %dma_wait3A_30 : memref<1x40x128xi32, #tpu.memory_space<hbm>> -> memref<40x128xi32, #tpu.memory_space<hbm>>
        %dma_wait3A_32 = arith.constant 0 : i32
        %dma_wait3A_33 = arith.constant 0 : i32
        %dma_wait3A_34 = tpu.memref_slice %arg4[%add3A, %dma_wait3A_32, %dma_wait3A_33] : memref<32x80x128xi32, #tpu.memory_space<hbm>> -> memref<1x40x128xi32, #tpu.memory_space<hbm>>
        %dma_wait3A_35 = tpu.memref_squeeze %dma_wait3A_34 : memref<1x40x128xi32, #tpu.memory_space<hbm>> -> memref<40x128xi32, #tpu.memory_space<hbm>>
        tpu.wait_dma2 semaphore(%run_scoped3A : memref<!tpu.dma_semaphore, #tpu.memory_space<semaphore_mem>>) src(%dma_wait3A_35 : memref<40x128xi32, #tpu.memory_space<hbm>>) dst(%arg8 : memref<40x128xi32, #tpu.memory_space<vmem>>)
        tpu.yield
      }) : () -> ()
      %scan3A = arith.constant 0 : i32
      %scan3A_12 = arith.constant 20 : i32
      %scan3A_13 = arith.addi %scan3A, %scan3A_12 : i32
      %scan3A_14 = arith.constant 1 : i32
      scf.for %scan3A_21 = %scan3A to %scan3A_13 step %scan3A_14  : i32 {
        %mul3A_22 = arith.constant 2 : i32
        %mul3A_23 = arith.muli %scan3A_21, %mul3A_22 : i32
        %add3A_24 = arith.constant 0 : i32
        %add3A_25 = arith.addi %add3A_24, %mul3A_23 : i32
        %add3A_26 = arith.constant 0 : i32
        %add3A_27 = arith.addi %add3A_25, %add3A_26 : i32
        %add3A_28 = arith.constant 0 : i32
        %add3A_29 = arith.addi %add3A_28, %add3A_27 : i32
        %dma_wait3A = arith.constant 0 : i32
        %dma_wait3A_30 = tpu.memref_slice %arg7[%add3A_29, %dma_wait3A] : memref<80x128xi32, #tpu.memory_space<vmem>> -> memref<1x128xi32, #tpu.memory_space<vmem>>
        %dma_wait3A_31 = tpu.memref_squeeze %dma_wait3A_30 : memref<1x128xi32, #tpu.memory_space<vmem>> -> memref<128xi32, #tpu.memory_space<vmem>>
        %dma_wait3A_32 = arith.constant 0 : i32
        %dma_wait3A_33 = arith.constant 0 : i32
        %dma_wait3A_34 = tpu.memref_slice %arg2[%dma_wait3A_32, %dma_wait3A_33] : memref<10112x128xf32, #tpu.memory_space<hbm>> -> memref<10112x128xf32, #tpu.memory_space<hbm>>
        tpu.wait_indirect_dma semaphore(%arg12 : memref<!tpu.dma_semaphore, #tpu.memory_space<semaphore_mem>>) src(%dma_wait3A_34 : memref<10112x128xf32, #tpu.memory_space<hbm>>) dst(%arg9 : memref<128x128xf32, #tpu.memory_space<vmem>>)
        %add3A_35 = arith.constant 1 : i32
        %add3A_36 = arith.addi %add3A_29, %add3A_35 : i32
        %lt3A = arith.constant 80 : i32
        %lt3A_37 = arith.cmpi slt, %add3A_36, %lt3A : i32
        %convert_element_type3A_38 = arith.extui %lt3A_37 : i1 to i32
        %cond3A_39 = arith.constant 0 : i32
        %cond3A_40 = arith.cmpi ne, %convert_element_type3A_38, %cond3A_39 : i32
        scf.if %cond3A_40 {
          %add3A_58 = arith.constant 1 : i32
          %add3A_59 = arith.addi %add3A_29, %add3A_58 : i32
          %dma_start3A_60 = arith.constant 0 : i32
          %dma_start3A_61 = tpu.memref_slice %arg7[%add3A_59, %dma_start3A_60] : memref<80x128xi32, #tpu.memory_space<vmem>> -> memref<1x128xi32, #tpu.memory_space<vmem>>
          %dma_start3A_62 = tpu.memref_squeeze %dma_start3A_61 : memref<1x128xi32, #tpu.memory_space<vmem>> -> memref<128xi32, #tpu.memory_space<vmem>>
          %dma_start3A_63 = arith.constant 0 : i32
          %dma_start3A_64 = arith.constant 0 : i32
          %dma_start3A_65 = tpu.memref_slice %arg2[%dma_start3A_63, %dma_start3A_64] : memref<10112x128xf32, #tpu.memory_space<hbm>> -> memref<10112x128xf32, #tpu.memory_space<hbm>>
          tpu.enqueue_indirect_dma source(%dma_start3A_65 : memref<10112x128xf32, #tpu.memory_space<hbm>>) target(%arg10 : memref<128x128xf32, #tpu.memory_space<vmem>>) offsets(%dma_start3A_62 : memref<128xi32, #tpu.memory_space<vmem>>) semaphore(%arg13 : memref<!tpu.dma_semaphore, #tpu.memory_space<semaphore_mem>>)
        } else {
        }
        "tpu.region"() ({
          %run_scoped3A = tpu.sem_alloc : memref<!tpu.dma_semaphore, #tpu.memory_space<semaphore_mem>>
          %dma_start3A_58 = arith.constant 0 : i32
          %dma_start3A_59 = tpu.memref_slice %arg8[%add3A_27, %dma_start3A_58] : memref<40x128xi32, #tpu.memory_space<vmem>> -> memref<1x128xi32, #tpu.memory_space<vmem>>
          %dma_start3A_60 = tpu.memref_squeeze %dma_start3A_59 : memref<1x128xi32, #tpu.memory_space<vmem>> -> memref<128xi32, #tpu.memory_space<vmem>>
          %dma_start3A_61 = arith.constant 0 : i32
          %dma_start3A_62 = arith.constant 0 : i32
          %dma_start3A_63 = tpu.memref_slice %arg11[%dma_start3A_61, %dma_start3A_62] : memref<10112x128xf32, #tpu.memory_space<vmem_shared>> -> memref<10112x128xf32, #tpu.memory_space<vmem_shared>>
          tpu.enqueue_indirect_dma source(%arg9 : memref<128x128xf32, #tpu.memory_space<vmem>>) target(%dma_start3A_63 : memref<10112x128xf32, #tpu.memory_space<vmem_shared>>) offsets(%dma_start3A_60 : memref<128xi32, #tpu.memory_space<vmem>>) semaphore(%run_scoped3A : memref<!tpu.dma_semaphore, #tpu.memory_space<semaphore_mem>>) {add = true}
          %dma_wait3A_64 = arith.constant 0 : i32
          %dma_wait3A_65 = tpu.memref_slice %arg8[%add3A_27, %dma_wait3A_64] : memref<40x128xi32, #tpu.memory_space<vmem>> -> memref<1x128xi32, #tpu.memory_space<vmem>>
          %dma_wait3A_66 = tpu.memref_squeeze %dma_wait3A_65 : memref<1x128xi32, #tpu.memory_space<vmem>> -> memref<128xi32, #tpu.memory_space<vmem>>
          %dma_wait3A_67 = arith.constant 0 : i32
          %dma_wait3A_68 = arith.constant 0 : i32
          %dma_wait3A_69 = tpu.memref_slice %arg11[%dma_wait3A_67, %dma_wait3A_68] : memref<10112x128xf32, #tpu.memory_space<vmem_shared>> -> memref<10112x128xf32, #tpu.memory_space<vmem_shared>>
          tpu.wait_indirect_dma semaphore(%run_scoped3A : memref<!tpu.dma_semaphore, #tpu.memory_space<semaphore_mem>>) src(%arg9 : memref<128x128xf32, #tpu.memory_space<vmem>>) dst(%dma_wait3A_69 : memref<10112x128xf32, #tpu.memory_space<vmem_shared>>)
          tpu.yield
        }) : () -> ()
        %add3A_41 = arith.constant 1 : i32
        %add3A_42 = arith.addi %add3A_25, %add3A_41 : i32
        %add3A_43 = arith.constant 0 : i32
        %add3A_44 = arith.addi %add3A_43, %add3A_42 : i32
        %dma_wait3A_45 = arith.constant 0 : i32
        %dma_wait3A_46 = tpu.memref_slice %arg7[%add3A_44, %dma_wait3A_45] : memref<80x128xi32, #tpu.memory_space<vmem>> -> memref<1x128xi32, #tpu.memory_space<vmem>>
        %dma_wait3A_47 = tpu.memref_squeeze %dma_wait3A_46 : memref<1x128xi32, #tpu.memory_space<vmem>> -> memref<128xi32, #tpu.memory_space<vmem>>
        %dma_wait3A_48 = arith.constant 0 : i32
        %dma_wait3A_49 = arith.constant 0 : i32
        %dma_wait3A_50 = tpu.memref_slice %arg2[%dma_wait3A_48, %dma_wait3A_49] : memref<10112x128xf32, #tpu.memory_space<hbm>> -> memref<10112x128xf32, #tpu.memory_space<hbm>>
        tpu.wait_indirect_dma semaphore(%arg13 : memref<!tpu.dma_semaphore, #tpu.memory_space<semaphore_mem>>) src(%dma_wait3A_50 : memref<10112x128xf32, #tpu.memory_space<hbm>>) dst(%arg10 : memref<128x128xf32, #tpu.memory_space<vmem>>)
        %add3A_51 = arith.constant 1 : i32
        %add3A_52 = arith.addi %add3A_44, %add3A_51 : i32
        %lt3A_53 = arith.constant 80 : i32
        %lt3A_54 = arith.cmpi slt, %add3A_52, %lt3A_53 : i32
        %convert_element_type3A_55 = arith.extui %lt3A_54 : i1 to i32
        %cond3A_56 = arith.constant 0 : i32
        %cond3A_57 = arith.cmpi ne, %convert_element_type3A_55, %cond3A_56 : i32
        scf.if %cond3A_57 {
          %add3A_58 = arith.constant 1 : i32
          %add3A_59 = arith.addi %add3A_44, %add3A_58 : i32
          %dma_start3A_60 = arith.constant 0 : i32
          %dma_start3A_61 = tpu.memref_slice %arg7[%add3A_59, %dma_start3A_60] : memref<80x128xi32, #tpu.memory_space<vmem>> -> memref<1x128xi32, #tpu.memory_space<vmem>>
          %dma_start3A_62 = tpu.memref_squeeze %dma_start3A_61 : memref<1x128xi32, #tpu.memory_space<vmem>> -> memref<128xi32, #tpu.memory_space<vmem>>
          %dma_start3A_63 = arith.constant 0 : i32
          %dma_start3A_64 = arith.constant 0 : i32
          %dma_start3A_65 = tpu.memref_slice %arg2[%dma_start3A_63, %dma_start3A_64] : memref<10112x128xf32, #tpu.memory_space<hbm>> -> memref<10112x128xf32, #tpu.memory_space<hbm>>
          tpu.enqueue_indirect_dma source(%dma_start3A_65 : memref<10112x128xf32, #tpu.memory_space<hbm>>) target(%arg9 : memref<128x128xf32, #tpu.memory_space<vmem>>) offsets(%dma_start3A_62 : memref<128xi32, #tpu.memory_space<vmem>>) semaphore(%arg12 : memref<!tpu.dma_semaphore, #tpu.memory_space<semaphore_mem>>)
        } else {
        }
        "tpu.region"() ({
          %run_scoped3A = tpu.sem_alloc : memref<!tpu.dma_semaphore, #tpu.memory_space<semaphore_mem>>
          %dma_start3A_58 = arith.constant 0 : i32
          %dma_start3A_59 = tpu.memref_slice %arg8[%add3A_42, %dma_start3A_58] : memref<40x128xi32, #tpu.memory_space<vmem>> -> memref<1x128xi32, #tpu.memory_space<vmem>>
          %dma_start3A_60 = tpu.memref_squeeze %dma_start3A_59 : memref<1x128xi32, #tpu.memory_space<vmem>> -> memref<128xi32, #tpu.memory_space<vmem>>
          %dma_start3A_61 = arith.constant 0 : i32
          %dma_start3A_62 = arith.constant 0 : i32
          %dma_start3A_63 = tpu.memref_slice %arg11[%dma_start3A_61, %dma_start3A_62] : memref<10112x128xf32, #tpu.memory_space<vmem_shared>> -> memref<10112x128xf32, #tpu.memory_space<vmem_shared>>
          tpu.enqueue_indirect_dma source(%arg10 : memref<128x128xf32, #tpu.memory_space<vmem>>) target(%dma_start3A_63 : memref<10112x128xf32, #tpu.memory_space<vmem_shared>>) offsets(%dma_start3A_60 : memref<128xi32, #tpu.memory_space<vmem>>) semaphore(%run_scoped3A : memref<!tpu.dma_semaphore, #tpu.memory_space<semaphore_mem>>) {add = true}
          %dma_wait3A_64 = arith.constant 0 : i32
          %dma_wait3A_65 = tpu.memref_slice %arg8[%add3A_42, %dma_wait3A_64] : memref<40x128xi32, #tpu.memory_space<vmem>> -> memref<1x128xi32, #tpu.memory_space<vmem>>
          %dma_wait3A_66 = tpu.memref_squeeze %dma_wait3A_65 : memref<1x128xi32, #tpu.memory_space<vmem>> -> memref<128xi32, #tpu.memory_space<vmem>>
          %dma_wait3A_67 = arith.constant 0 : i32
          %dma_wait3A_68 = arith.constant 0 : i32
          %dma_wait3A_69 = tpu.memref_slice %arg11[%dma_wait3A_67, %dma_wait3A_68] : memref<10112x128xf32, #tpu.memory_space<vmem_shared>> -> memref<10112x128xf32, #tpu.memory_space<vmem_shared>>
          tpu.wait_indirect_dma semaphore(%run_scoped3A : memref<!tpu.dma_semaphore, #tpu.memory_space<semaphore_mem>>) src(%arg10 : memref<128x128xf32, #tpu.memory_space<vmem>>) dst(%dma_wait3A_69 : memref<10112x128xf32, #tpu.memory_space<vmem_shared>>)
          tpu.yield
        }) : () -> ()
      }
      %scan3A_15 = arith.constant 20 : i32
      "tpu.region"() ({
        %run_scoped3A = tpu.sem_alloc : memref<!tpu.dma_semaphore, #tpu.memory_space<semaphore_mem>>
        %dma_start3A_21 = arith.constant 40 : i32
        %dma_start3A_22 = arith.constant 0 : i32
        %dma_start3A_23 = tpu.memref_slice %arg4[%add3A, %dma_start3A_21, %dma_start3A_22] : memref<32x80x128xi32, #tpu.memory_space<hbm>> -> memref<1x40x128xi32, #tpu.memory_space<hbm>>
        %dma_start3A_24 = tpu.memref_squeeze %dma_start3A_23 : memref<1x40x128xi32, #tpu.memory_space<hbm>> -> memref<40x128xi32, #tpu.memory_space<hbm>>
        %dma_start3A_25 = arith.constant 40 : i32
        %dma_start3A_26 = arith.constant 0 : i32
        %dma_start3A_27 = tpu.memref_slice %arg4[%add3A, %dma_start3A_25, %dma_start3A_26] : memref<32x80x128xi32, #tpu.memory_space<hbm>> -> memref<1x40x128xi32, #tpu.memory_space<hbm>>
        %dma_start3A_28 = tpu.memref_squeeze %dma_start3A_27 : memref<1x40x128xi32, #tpu.memory_space<hbm>> -> memref<40x128xi32, #tpu.memory_space<hbm>>
        tpu.enqueue_dma source(%dma_start3A_28 : memref<40x128xi32, #tpu.memory_space<hbm>>) target(%arg8 : memref<40x128xi32, #tpu.memory_space<vmem>>) target_semaphore(%run_scoped3A : memref<!tpu.dma_semaphore, #tpu.memory_space<semaphore_mem>>)
        %dma_wait3A = arith.constant 40 : i32
        %dma_wait3A_29 = arith.constant 0 : i32
        %dma_wait3A_30 = tpu.memref_slice %arg4[%add3A, %dma_wait3A, %dma_wait3A_29] : memref<32x80x128xi32, #tpu.memory_space<hbm>> -> memref<1x40x128xi32, #tpu.memory_space<hbm>>
        %dma_wait3A_31 = tpu.memref_squeeze %dma_wait3A_30 : memref<1x40x128xi32, #tpu.memory_space<hbm>> -> memref<40x128xi32, #tpu.memory_space<hbm>>
        %dma_wait3A_32 = arith.constant 40 : i32
        %dma_wait3A_33 = arith.constant 0 : i32
        %dma_wait3A_34 = tpu.memref_slice %arg4[%add3A, %dma_wait3A_32, %dma_wait3A_33] : memref<32x80x128xi32, #tpu.memory_space<hbm>> -> memref<1x40x128xi32, #tpu.memory_space<hbm>>
        %dma_wait3A_35 = tpu.memref_squeeze %dma_wait3A_34 : memref<1x40x128xi32, #tpu.memory_space<hbm>> -> memref<40x128xi32, #tpu.memory_space<hbm>>
        tpu.wait_dma2 semaphore(%run_scoped3A : memref<!tpu.dma_semaphore, #tpu.memory_space<semaphore_mem>>) src(%dma_wait3A_35 : memref<40x128xi32, #tpu.memory_space<hbm>>) dst(%arg8 : memref<40x128xi32, #tpu.memory_space<vmem>>)
        tpu.yield
      }) : () -> ()
      %scan3A_16 = arith.constant 0 : i32
      %scan3A_17 = arith.constant 20 : i32
      %scan3A_18 = arith.addi %scan3A_16, %scan3A_17 : i32
      %scan3A_19 = arith.constant 1 : i32
      scf.for %scan3A_21 = %scan3A_16 to %scan3A_18 step %scan3A_19  : i32 {
        %mul3A_22 = arith.constant 2 : i32
        %mul3A_23 = arith.muli %scan3A_21, %mul3A_22 : i32
        %add3A_24 = arith.constant 0 : i32
        %add3A_25 = arith.addi %add3A_24, %mul3A_23 : i32
        %add3A_26 = arith.constant 0 : i32
        %add3A_27 = arith.addi %add3A_25, %add3A_26 : i32
        %add3A_28 = arith.constant 40 : i32
        %add3A_29 = arith.addi %add3A_28, %add3A_27 : i32
        %dma_wait3A = arith.constant 0 : i32
        %dma_wait3A_30 = tpu.memref_slice %arg7[%add3A_29, %dma_wait3A] : memref<80x128xi32, #tpu.memory_space<vmem>> -> memref<1x128xi32, #tpu.memory_space<vmem>>
        %dma_wait3A_31 = tpu.memref_squeeze %dma_wait3A_30 : memref<1x128xi32, #tpu.memory_space<vmem>> -> memref<128xi32, #tpu.memory_space<vmem>>
        %dma_wait3A_32 = arith.constant 0 : i32
        %dma_wait3A_33 = arith.constant 0 : i32
        %dma_wait3A_34 = tpu.memref_slice %arg2[%dma_wait3A_32, %dma_wait3A_33] : memref<10112x128xf32, #tpu.memory_space<hbm>> -> memref<10112x128xf32, #tpu.memory_space<hbm>>
        tpu.wait_indirect_dma semaphore(%arg12 : memref<!tpu.dma_semaphore, #tpu.memory_space<semaphore_mem>>) src(%dma_wait3A_34 : memref<10112x128xf32, #tpu.memory_space<hbm>>) dst(%arg9 : memref<128x128xf32, #tpu.memory_space<vmem>>)
        %add3A_35 = arith.constant 1 : i32
        %add3A_36 = arith.addi %add3A_29, %add3A_35 : i32
        %lt3A = arith.constant 80 : i32
        %lt3A_37 = arith.cmpi slt, %add3A_36, %lt3A : i32
        %convert_element_type3A_38 = arith.extui %lt3A_37 : i1 to i32
        %cond3A_39 = arith.constant 0 : i32
        %cond3A_40 = arith.cmpi ne, %convert_element_type3A_38, %cond3A_39 : i32
        scf.if %cond3A_40 {
          %add3A_58 = arith.constant 1 : i32
          %add3A_59 = arith.addi %add3A_29, %add3A_58 : i32
          %dma_start3A_60 = arith.constant 0 : i32
          %dma_start3A_61 = tpu.memref_slice %arg7[%add3A_59, %dma_start3A_60] : memref<80x128xi32, #tpu.memory_space<vmem>> -> memref<1x128xi32, #tpu.memory_space<vmem>>
          %dma_start3A_62 = tpu.memref_squeeze %dma_start3A_61 : memref<1x128xi32, #tpu.memory_space<vmem>> -> memref<128xi32, #tpu.memory_space<vmem>>
          %dma_start3A_63 = arith.constant 0 : i32
          %dma_start3A_64 = arith.constant 0 : i32
          %dma_start3A_65 = tpu.memref_slice %arg2[%dma_start3A_63, %dma_start3A_64] : memref<10112x128xf32, #tpu.memory_space<hbm>> -> memref<10112x128xf32, #tpu.memory_space<hbm>>
          tpu.enqueue_indirect_dma source(%dma_start3A_65 : memref<10112x128xf32, #tpu.memory_space<hbm>>) target(%arg10 : memref<128x128xf32, #tpu.memory_space<vmem>>) offsets(%dma_start3A_62 : memref<128xi32, #tpu.memory_space<vmem>>) semaphore(%arg13 : memref<!tpu.dma_semaphore, #tpu.memory_space<semaphore_mem>>)
        } else {
        }
        "tpu.region"() ({
          %run_scoped3A = tpu.sem_alloc : memref<!tpu.dma_semaphore, #tpu.memory_space<semaphore_mem>>
          %dma_start3A_58 = arith.constant 0 : i32
          %dma_start3A_59 = tpu.memref_slice %arg8[%add3A_27, %dma_start3A_58] : memref<40x128xi32, #tpu.memory_space<vmem>> -> memref<1x128xi32, #tpu.memory_space<vmem>>
          %dma_start3A_60 = tpu.memref_squeeze %dma_start3A_59 : memref<1x128xi32, #tpu.memory_space<vmem>> -> memref<128xi32, #tpu.memory_space<vmem>>
          %dma_start3A_61 = arith.constant 0 : i32
          %dma_start3A_62 = arith.constant 0 : i32
          %dma_start3A_63 = tpu.memref_slice %arg11[%dma_start3A_61, %dma_start3A_62] : memref<10112x128xf32, #tpu.memory_space<vmem_shared>> -> memref<10112x128xf32, #tpu.memory_space<vmem_shared>>
          tpu.enqueue_indirect_dma source(%arg9 : memref<128x128xf32, #tpu.memory_space<vmem>>) target(%dma_start3A_63 : memref<10112x128xf32, #tpu.memory_space<vmem_shared>>) offsets(%dma_start3A_60 : memref<128xi32, #tpu.memory_space<vmem>>) semaphore(%run_scoped3A : memref<!tpu.dma_semaphore, #tpu.memory_space<semaphore_mem>>) {add = true}
          %dma_wait3A_64 = arith.constant 0 : i32
          %dma_wait3A_65 = tpu.memref_slice %arg8[%add3A_27, %dma_wait3A_64] : memref<40x128xi32, #tpu.memory_space<vmem>> -> memref<1x128xi32, #tpu.memory_space<vmem>>
          %dma_wait3A_66 = tpu.memref_squeeze %dma_wait3A_65 : memref<1x128xi32, #tpu.memory_space<vmem>> -> memref<128xi32, #tpu.memory_space<vmem>>
          %dma_wait3A_67 = arith.constant 0 : i32
          %dma_wait3A_68 = arith.constant 0 : i32
          %dma_wait3A_69 = tpu.memref_slice %arg11[%dma_wait3A_67, %dma_wait3A_68] : memref<10112x128xf32, #tpu.memory_space<vmem_shared>> -> memref<10112x128xf32, #tpu.memory_space<vmem_shared>>
          tpu.wait_indirect_dma semaphore(%run_scoped3A : memref<!tpu.dma_semaphore, #tpu.memory_space<semaphore_mem>>) src(%arg9 : memref<128x128xf32, #tpu.memory_space<vmem>>) dst(%dma_wait3A_69 : memref<10112x128xf32, #tpu.memory_space<vmem_shared>>)
          tpu.yield
        }) : () -> ()
        %add3A_41 = arith.constant 1 : i32
        %add3A_42 = arith.addi %add3A_25, %add3A_41 : i32
        %add3A_43 = arith.constant 40 : i32
        %add3A_44 = arith.addi %add3A_43, %add3A_42 : i32
        %dma_wait3A_45 = arith.constant 0 : i32
        %dma_wait3A_46 = tpu.memref_slice %arg7[%add3A_44, %dma_wait3A_45] : memref<80x128xi32, #tpu.memory_space<vmem>> -> memref<1x128xi32, #tpu.memory_space<vmem>>
        %dma_wait3A_47 = tpu.memref_squeeze %dma_wait3A_46 : memref<1x128xi32, #tpu.memory_space<vmem>> -> memref<128xi32, #tpu.memory_space<vmem>>
        %dma_wait3A_48 = arith.constant 0 : i32
        %dma_wait3A_49 = arith.constant 0 : i32
        %dma_wait3A_50 = tpu.memref_slice %arg2[%dma_wait3A_48, %dma_wait3A_49] : memref<10112x128xf32, #tpu.memory_space<hbm>> -> memref<10112x128xf32, #tpu.memory_space<hbm>>
        tpu.wait_indirect_dma semaphore(%arg13 : memref<!tpu.dma_semaphore, #tpu.memory_space<semaphore_mem>>) src(%dma_wait3A_50 : memref<10112x128xf32, #tpu.memory_space<hbm>>) dst(%arg10 : memref<128x128xf32, #tpu.memory_space<vmem>>)
        %add3A_51 = arith.constant 1 : i32
        %add3A_52 = arith.addi %add3A_44, %add3A_51 : i32
        %lt3A_53 = arith.constant 80 : i32
        %lt3A_54 = arith.cmpi slt, %add3A_52, %lt3A_53 : i32
        %convert_element_type3A_55 = arith.extui %lt3A_54 : i1 to i32
        %cond3A_56 = arith.constant 0 : i32
        %cond3A_57 = arith.cmpi ne, %convert_element_type3A_55, %cond3A_56 : i32
        scf.if %cond3A_57 {
          %add3A_58 = arith.constant 1 : i32
          %add3A_59 = arith.addi %add3A_44, %add3A_58 : i32
          %dma_start3A_60 = arith.constant 0 : i32
          %dma_start3A_61 = tpu.memref_slice %arg7[%add3A_59, %dma_start3A_60] : memref<80x128xi32, #tpu.memory_space<vmem>> -> memref<1x128xi32, #tpu.memory_space<vmem>>
          %dma_start3A_62 = tpu.memref_squeeze %dma_start3A_61 : memref<1x128xi32, #tpu.memory_space<vmem>> -> memref<128xi32, #tpu.memory_space<vmem>>
          %dma_start3A_63 = arith.constant 0 : i32
          %dma_start3A_64 = arith.constant 0 : i32
          %dma_start3A_65 = tpu.memref_slice %arg2[%dma_start3A_63, %dma_start3A_64] : memref<10112x128xf32, #tpu.memory_space<hbm>> -> memref<10112x128xf32, #tpu.memory_space<hbm>>
          tpu.enqueue_indirect_dma source(%dma_start3A_65 : memref<10112x128xf32, #tpu.memory_space<hbm>>) target(%arg9 : memref<128x128xf32, #tpu.memory_space<vmem>>) offsets(%dma_start3A_62 : memref<128xi32, #tpu.memory_space<vmem>>) semaphore(%arg12 : memref<!tpu.dma_semaphore, #tpu.memory_space<semaphore_mem>>)
        } else {
        }
        "tpu.region"() ({
          %run_scoped3A = tpu.sem_alloc : memref<!tpu.dma_semaphore, #tpu.memory_space<semaphore_mem>>
          %dma_start3A_58 = arith.constant 0 : i32
          %dma_start3A_59 = tpu.memref_slice %arg8[%add3A_42, %dma_start3A_58] : memref<40x128xi32, #tpu.memory_space<vmem>> -> memref<1x128xi32, #tpu.memory_space<vmem>>
          %dma_start3A_60 = tpu.memref_squeeze %dma_start3A_59 : memref<1x128xi32, #tpu.memory_space<vmem>> -> memref<128xi32, #tpu.memory_space<vmem>>
          %dma_start3A_61 = arith.constant 0 : i32
          %dma_start3A_62 = arith.constant 0 : i32
          %dma_start3A_63 = tpu.memref_slice %arg11[%dma_start3A_61, %dma_start3A_62] : memref<10112x128xf32, #tpu.memory_space<vmem_shared>> -> memref<10112x128xf32, #tpu.memory_space<vmem_shared>>
          tpu.enqueue_indirect_dma source(%arg10 : memref<128x128xf32, #tpu.memory_space<vmem>>) target(%dma_start3A_63 : memref<10112x128xf32, #tpu.memory_space<vmem_shared>>) offsets(%dma_start3A_60 : memref<128xi32, #tpu.memory_space<vmem>>) semaphore(%run_scoped3A : memref<!tpu.dma_semaphore, #tpu.memory_space<semaphore_mem>>) {add = true}
          %dma_wait3A_64 = arith.constant 0 : i32
          %dma_wait3A_65 = tpu.memref_slice %arg8[%add3A_42, %dma_wait3A_64] : memref<40x128xi32, #tpu.memory_space<vmem>> -> memref<1x128xi32, #tpu.memory_space<vmem>>
          %dma_wait3A_66 = tpu.memref_squeeze %dma_wait3A_65 : memref<1x128xi32, #tpu.memory_space<vmem>> -> memref<128xi32, #tpu.memory_space<vmem>>
          %dma_wait3A_67 = arith.constant 0 : i32
          %dma_wait3A_68 = arith.constant 0 : i32
          %dma_wait3A_69 = tpu.memref_slice %arg11[%dma_wait3A_67, %dma_wait3A_68] : memref<10112x128xf32, #tpu.memory_space<vmem_shared>> -> memref<10112x128xf32, #tpu.memory_space<vmem_shared>>
          tpu.wait_indirect_dma semaphore(%run_scoped3A : memref<!tpu.dma_semaphore, #tpu.memory_space<semaphore_mem>>) src(%arg10 : memref<128x128xf32, #tpu.memory_space<vmem>>) dst(%dma_wait3A_69 : memref<10112x128xf32, #tpu.memory_space<vmem_shared>>)
          tpu.yield
        }) : () -> ()
      }
      %scan3A_20 = arith.constant 20 : i32
    } else {
    }
    %barrier3A_5 = arith.constant 0 : index
    tpu.barrier barrier_id(%barrier3A_5)
    "tpu.region"() ({
      %run_scoped3A = tpu.sem_alloc : memref<!tpu.dma_semaphore, #tpu.memory_space<semaphore_mem>>
      %dma_start3A = arith.constant 0 : i32
      %dma_start3A_6 = tpu.memref_slice %arg6[%arg0, %mul3A_2, %dma_start3A] : memref<2x10112x128xf32, #tpu.memory_space<hbm>> -> memref<1x632x128xf32, #tpu.memory_space<hbm>>
      %dma_start3A_7 = tpu.memref_squeeze %dma_start3A_6 : memref<1x632x128xf32, #tpu.memory_space<hbm>> -> memref<632x128xf32, #tpu.memory_space<hbm>>
      %dma_start3A_8 = arith.constant 0 : i32
      %dma_start3A_9 = tpu.memref_slice %arg11[%mul3A_2, %dma_start3A_8] : memref<10112x128xf32, #tpu.memory_space<vmem_shared>> -> memref<632x128xf32, #tpu.memory_space<vmem_shared>>
      tpu.enqueue_dma source(%dma_start3A_9 : memref<632x128xf32, #tpu.memory_space<vmem_shared>>) target(%dma_start3A_7 : memref<632x128xf32, #tpu.memory_space<hbm>>) target_semaphore(%run_scoped3A : memref<!tpu.dma_semaphore, #tpu.memory_space<semaphore_mem>>)
      %dma_wait3A = arith.constant 0 : i32
      %dma_wait3A_10 = tpu.memref_slice %arg6[%arg0, %mul3A_2, %dma_wait3A] : memref<2x10112x128xf32, #tpu.memory_space<hbm>> -> memref<1x632x128xf32, #tpu.memory_space<hbm>>
      %dma_wait3A_11 = tpu.memref_squeeze %dma_wait3A_10 : memref<1x632x128xf32, #tpu.memory_space<hbm>> -> memref<632x128xf32, #tpu.memory_space<hbm>>
      %dma_wait3A_12 = arith.constant 0 : i32
      %dma_wait3A_13 = tpu.memref_slice %arg11[%mul3A_2, %dma_wait3A_12] : memref<10112x128xf32, #tpu.memory_space<vmem_shared>> -> memref<632x128xf32, #tpu.memory_space<vmem_shared>>
      tpu.wait_dma2 semaphore(%run_scoped3A : memref<!tpu.dma_semaphore, #tpu.memory_space<semaphore_mem>>) src(%dma_wait3A_13 : memref<632x128xf32, #tpu.memory_space<vmem_shared>>) dst(%dma_wait3A_11 : memref<632x128xf32, #tpu.memory_space<hbm>>)
      tpu.yield
    }) : () -> ()
    return
  }
}

#map = affine_map<(d0, d1) -> (0, 0)>
#map1 = affine_map<(d0, d1) -> (0, 0, 0)>
module attributes {stable_mosaic.version = 14 : i64} {
  func.func @_agg_body_c1(%arg0: i32, %arg1: i32, %arg2: memref<10112x128xf32, #tpu.memory_space<hbm>>, %arg3: memref<32x80x128xi32, #tpu.memory_space<hbm>>, %arg4: memref<32x80x128xi32, #tpu.memory_space<hbm>>, %arg5: memref<10112x128xf32, #tpu.memory_space<hbm>>, %arg6: memref<2x10112x128xf32, #tpu.memory_space<hbm>>, %arg7: memref<80x128xi32, #tpu.memory_space<vmem>>, %arg8: memref<40x128xi32, #tpu.memory_space<vmem>>, %arg9: memref<128x128xf32, #tpu.memory_space<vmem>>, %arg10: memref<128x128xf32, #tpu.memory_space<vmem>>, %arg11: memref<10112x128xf32, #tpu.memory_space<vmem_shared>>, %arg12: memref<!tpu.dma_semaphore, #tpu.memory_space<semaphore_mem>>, %arg13: memref<!tpu.dma_semaphore, #tpu.memory_space<semaphore_mem>>) attributes {dimension_semantics = [#tpu.dimension_semantics<core_parallel>, #tpu.dimension_semantics<subcore_parallel>], iteration_bounds = array<i64: 2, 16>, scalar_prefetch = 0 : i64, scratch_operands = 7 : i64, tpu.core_type = #tpu.core_type<sc_vector_subcore>, window_params = [{transform_indices = #map}, {transform_indices = #map1}, {transform_indices = #map1}, {transform_indices = #map}, {transform_indices = #map1}]} {
    %mul3A = arith.constant 2 : i32
    %mul3A_0 = arith.muli %arg1, %mul3A : i32
    %add3A = arith.addi %mul3A_0, %arg0 : i32
    %mul3A_1 = arith.constant 632 : i32
    %mul3A_2 = arith.muli %arg1, %mul3A_1 : i32
    "tpu.region"() ({
      %run_scoped3A = tpu.sem_alloc : memref<!tpu.dma_semaphore, #tpu.memory_space<semaphore_mem>>
      %dma_start3A = arith.constant 0 : i32
      %dma_start3A_6 = tpu.memref_slice %arg11[%mul3A_2, %dma_start3A] : memref<10112x128xf32, #tpu.memory_space<vmem_shared>> -> memref<632x128xf32, #tpu.memory_space<vmem_shared>>
      %dma_start3A_7 = arith.constant 0 : i32
      %dma_start3A_8 = tpu.memref_slice %arg5[%mul3A_2, %dma_start3A_7] : memref<10112x128xf32, #tpu.memory_space<hbm>> -> memref<632x128xf32, #tpu.memory_space<hbm>>
      tpu.enqueue_dma source(%dma_start3A_8 : memref<632x128xf32, #tpu.memory_space<hbm>>) target(%dma_start3A_6 : memref<632x128xf32, #tpu.memory_space<vmem_shared>>) target_semaphore(%run_scoped3A : memref<!tpu.dma_semaphore, #tpu.memory_space<semaphore_mem>>)
      %dma_wait3A = arith.constant 0 : i32
      %dma_wait3A_9 = tpu.memref_slice %arg11[%mul3A_2, %dma_wait3A] : memref<10112x128xf32, #tpu.memory_space<vmem_shared>> -> memref<632x128xf32, #tpu.memory_space<vmem_shared>>
      %dma_wait3A_10 = arith.constant 0 : i32
      %dma_wait3A_11 = tpu.memref_slice %arg5[%mul3A_2, %dma_wait3A_10] : memref<10112x128xf32, #tpu.memory_space<hbm>> -> memref<632x128xf32, #tpu.memory_space<hbm>>
      tpu.wait_dma2 semaphore(%run_scoped3A : memref<!tpu.dma_semaphore, #tpu.memory_space<semaphore_mem>>) src(%dma_wait3A_11 : memref<632x128xf32, #tpu.memory_space<hbm>>) dst(%dma_wait3A_9 : memref<632x128xf32, #tpu.memory_space<vmem_shared>>)
      tpu.yield
    }) : () -> ()
    "tpu.region"() ({
      %run_scoped3A = tpu.sem_alloc : memref<!tpu.dma_semaphore, #tpu.memory_space<semaphore_mem>>
      %dma_start3A = arith.constant 0 : i32
      %dma_start3A_6 = arith.constant 0 : i32
      %dma_start3A_7 = tpu.memref_slice %arg3[%add3A, %dma_start3A, %dma_start3A_6] : memref<32x80x128xi32, #tpu.memory_space<hbm>> -> memref<1x80x128xi32, #tpu.memory_space<hbm>>
      %dma_start3A_8 = tpu.memref_squeeze %dma_start3A_7 : memref<1x80x128xi32, #tpu.memory_space<hbm>> -> memref<80x128xi32, #tpu.memory_space<hbm>>
      %dma_start3A_9 = arith.constant 0 : i32
      %dma_start3A_10 = arith.constant 0 : i32
      %dma_start3A_11 = tpu.memref_slice %arg3[%add3A, %dma_start3A_9, %dma_start3A_10] : memref<32x80x128xi32, #tpu.memory_space<hbm>> -> memref<1x80x128xi32, #tpu.memory_space<hbm>>
      %dma_start3A_12 = tpu.memref_squeeze %dma_start3A_11 : memref<1x80x128xi32, #tpu.memory_space<hbm>> -> memref<80x128xi32, #tpu.memory_space<hbm>>
      tpu.enqueue_dma source(%dma_start3A_12 : memref<80x128xi32, #tpu.memory_space<hbm>>) target(%arg7 : memref<80x128xi32, #tpu.memory_space<vmem>>) target_semaphore(%run_scoped3A : memref<!tpu.dma_semaphore, #tpu.memory_space<semaphore_mem>>)
      %dma_wait3A = arith.constant 0 : i32
      %dma_wait3A_13 = arith.constant 0 : i32
      %dma_wait3A_14 = tpu.memref_slice %arg3[%add3A, %dma_wait3A, %dma_wait3A_13] : memref<32x80x128xi32, #tpu.memory_space<hbm>> -> memref<1x80x128xi32, #tpu.memory_space<hbm>>
      %dma_wait3A_15 = tpu.memref_squeeze %dma_wait3A_14 : memref<1x80x128xi32, #tpu.memory_space<hbm>> -> memref<80x128xi32, #tpu.memory_space<hbm>>
      %dma_wait3A_16 = arith.constant 0 : i32
      %dma_wait3A_17 = arith.constant 0 : i32
      %dma_wait3A_18 = tpu.memref_slice %arg3[%add3A, %dma_wait3A_16, %dma_wait3A_17] : memref<32x80x128xi32, #tpu.memory_space<hbm>> -> memref<1x80x128xi32, #tpu.memory_space<hbm>>
      %dma_wait3A_19 = tpu.memref_squeeze %dma_wait3A_18 : memref<1x80x128xi32, #tpu.memory_space<hbm>> -> memref<80x128xi32, #tpu.memory_space<hbm>>
      tpu.wait_dma2 semaphore(%run_scoped3A : memref<!tpu.dma_semaphore, #tpu.memory_space<semaphore_mem>>) src(%dma_wait3A_19 : memref<80x128xi32, #tpu.memory_space<hbm>>) dst(%arg7 : memref<80x128xi32, #tpu.memory_space<vmem>>)
      tpu.yield
    }) : () -> ()
    %barrier3A = arith.constant 0 : index
    tpu.barrier barrier_id(%barrier3A)
    %eq3A = arith.constant 1 : i32
    %eq3A_3 = arith.cmpi eq, %arg0, %eq3A : i32
    %convert_element_type3A = arith.extui %eq3A_3 : i1 to i32
    %cond3A = arith.constant 0 : i32
    %cond3A_4 = arith.cmpi ne, %convert_element_type3A, %cond3A : i32
    scf.if %cond3A_4 {
      %dma_start3A = arith.constant 0 : i32
      %dma_start3A_6 = arith.constant 0 : i32
      %dma_start3A_7 = tpu.memref_slice %arg7[%dma_start3A, %dma_start3A_6] : memref<80x128xi32, #tpu.memory_space<vmem>> -> memref<1x128xi32, #tpu.memory_space<vmem>>
      %dma_start3A_8 = tpu.memref_squeeze %dma_start3A_7 : memref<1x128xi32, #tpu.memory_space<vmem>> -> memref<128xi32, #tpu.memory_space<vmem>>
      %dma_start3A_9 = arith.constant 0 : i32
      %dma_start3A_10 = arith.constant 0 : i32
      %dma_start3A_11 = tpu.memref_slice %arg2[%dma_start3A_9, %dma_start3A_10] : memref<10112x128xf32, #tpu.memory_space<hbm>> -> memref<10112x128xf32, #tpu.memory_space<hbm>>
      tpu.enqueue_indirect_dma source(%dma_start3A_11 : memref<10112x128xf32, #tpu.memory_space<hbm>>) target(%arg9 : memref<128x128xf32, #tpu.memory_space<vmem>>) offsets(%dma_start3A_8 : memref<128xi32, #tpu.memory_space<vmem>>) semaphore(%arg12 : memref<!tpu.dma_semaphore, #tpu.memory_space<semaphore_mem>>)
      "tpu.region"() ({
        %run_scoped3A = tpu.sem_alloc : memref<!tpu.dma_semaphore, #tpu.memory_space<semaphore_mem>>
        %dma_start3A_21 = arith.constant 0 : i32
        %dma_start3A_22 = arith.constant 0 : i32
        %dma_start3A_23 = tpu.memref_slice %arg4[%add3A, %dma_start3A_21, %dma_start3A_22] : memref<32x80x128xi32, #tpu.memory_space<hbm>> -> memref<1x40x128xi32, #tpu.memory_space<hbm>>
        %dma_start3A_24 = tpu.memref_squeeze %dma_start3A_23 : memref<1x40x128xi32, #tpu.memory_space<hbm>> -> memref<40x128xi32, #tpu.memory_space<hbm>>
        %dma_start3A_25 = arith.constant 0 : i32
        %dma_start3A_26 = arith.constant 0 : i32
        %dma_start3A_27 = tpu.memref_slice %arg4[%add3A, %dma_start3A_25, %dma_start3A_26] : memref<32x80x128xi32, #tpu.memory_space<hbm>> -> memref<1x40x128xi32, #tpu.memory_space<hbm>>
        %dma_start3A_28 = tpu.memref_squeeze %dma_start3A_27 : memref<1x40x128xi32, #tpu.memory_space<hbm>> -> memref<40x128xi32, #tpu.memory_space<hbm>>
        tpu.enqueue_dma source(%dma_start3A_28 : memref<40x128xi32, #tpu.memory_space<hbm>>) target(%arg8 : memref<40x128xi32, #tpu.memory_space<vmem>>) target_semaphore(%run_scoped3A : memref<!tpu.dma_semaphore, #tpu.memory_space<semaphore_mem>>)
        %dma_wait3A = arith.constant 0 : i32
        %dma_wait3A_29 = arith.constant 0 : i32
        %dma_wait3A_30 = tpu.memref_slice %arg4[%add3A, %dma_wait3A, %dma_wait3A_29] : memref<32x80x128xi32, #tpu.memory_space<hbm>> -> memref<1x40x128xi32, #tpu.memory_space<hbm>>
        %dma_wait3A_31 = tpu.memref_squeeze %dma_wait3A_30 : memref<1x40x128xi32, #tpu.memory_space<hbm>> -> memref<40x128xi32, #tpu.memory_space<hbm>>
        %dma_wait3A_32 = arith.constant 0 : i32
        %dma_wait3A_33 = arith.constant 0 : i32
        %dma_wait3A_34 = tpu.memref_slice %arg4[%add3A, %dma_wait3A_32, %dma_wait3A_33] : memref<32x80x128xi32, #tpu.memory_space<hbm>> -> memref<1x40x128xi32, #tpu.memory_space<hbm>>
        %dma_wait3A_35 = tpu.memref_squeeze %dma_wait3A_34 : memref<1x40x128xi32, #tpu.memory_space<hbm>> -> memref<40x128xi32, #tpu.memory_space<hbm>>
        tpu.wait_dma2 semaphore(%run_scoped3A : memref<!tpu.dma_semaphore, #tpu.memory_space<semaphore_mem>>) src(%dma_wait3A_35 : memref<40x128xi32, #tpu.memory_space<hbm>>) dst(%arg8 : memref<40x128xi32, #tpu.memory_space<vmem>>)
        tpu.yield
      }) : () -> ()
      %scan3A = arith.constant 0 : i32
      %scan3A_12 = arith.constant 20 : i32
      %scan3A_13 = arith.addi %scan3A, %scan3A_12 : i32
      %scan3A_14 = arith.constant 1 : i32
      scf.for %scan3A_21 = %scan3A to %scan3A_13 step %scan3A_14  : i32 {
        %mul3A_22 = arith.constant 2 : i32
        %mul3A_23 = arith.muli %scan3A_21, %mul3A_22 : i32
        %add3A_24 = arith.constant 0 : i32
        %add3A_25 = arith.addi %add3A_24, %mul3A_23 : i32
        %add3A_26 = arith.constant 0 : i32
        %add3A_27 = arith.addi %add3A_25, %add3A_26 : i32
        %add3A_28 = arith.constant 0 : i32
        %add3A_29 = arith.addi %add3A_28, %add3A_27 : i32
        %dma_wait3A = arith.constant 0 : i32
        %dma_wait3A_30 = tpu.memref_slice %arg7[%add3A_29, %dma_wait3A] : memref<80x128xi32, #tpu.memory_space<vmem>> -> memref<1x128xi32, #tpu.memory_space<vmem>>
        %dma_wait3A_31 = tpu.memref_squeeze %dma_wait3A_30 : memref<1x128xi32, #tpu.memory_space<vmem>> -> memref<128xi32, #tpu.memory_space<vmem>>
        %dma_wait3A_32 = arith.constant 0 : i32
        %dma_wait3A_33 = arith.constant 0 : i32
        %dma_wait3A_34 = tpu.memref_slice %arg2[%dma_wait3A_32, %dma_wait3A_33] : memref<10112x128xf32, #tpu.memory_space<hbm>> -> memref<10112x128xf32, #tpu.memory_space<hbm>>
        tpu.wait_indirect_dma semaphore(%arg12 : memref<!tpu.dma_semaphore, #tpu.memory_space<semaphore_mem>>) src(%dma_wait3A_34 : memref<10112x128xf32, #tpu.memory_space<hbm>>) dst(%arg9 : memref<128x128xf32, #tpu.memory_space<vmem>>)
        %add3A_35 = arith.constant 1 : i32
        %add3A_36 = arith.addi %add3A_29, %add3A_35 : i32
        %lt3A = arith.constant 80 : i32
        %lt3A_37 = arith.cmpi slt, %add3A_36, %lt3A : i32
        %convert_element_type3A_38 = arith.extui %lt3A_37 : i1 to i32
        %cond3A_39 = arith.constant 0 : i32
        %cond3A_40 = arith.cmpi ne, %convert_element_type3A_38, %cond3A_39 : i32
        scf.if %cond3A_40 {
          %add3A_58 = arith.constant 1 : i32
          %add3A_59 = arith.addi %add3A_29, %add3A_58 : i32
          %dma_start3A_60 = arith.constant 0 : i32
          %dma_start3A_61 = tpu.memref_slice %arg7[%add3A_59, %dma_start3A_60] : memref<80x128xi32, #tpu.memory_space<vmem>> -> memref<1x128xi32, #tpu.memory_space<vmem>>
          %dma_start3A_62 = tpu.memref_squeeze %dma_start3A_61 : memref<1x128xi32, #tpu.memory_space<vmem>> -> memref<128xi32, #tpu.memory_space<vmem>>
          %dma_start3A_63 = arith.constant 0 : i32
          %dma_start3A_64 = arith.constant 0 : i32
          %dma_start3A_65 = tpu.memref_slice %arg2[%dma_start3A_63, %dma_start3A_64] : memref<10112x128xf32, #tpu.memory_space<hbm>> -> memref<10112x128xf32, #tpu.memory_space<hbm>>
          tpu.enqueue_indirect_dma source(%dma_start3A_65 : memref<10112x128xf32, #tpu.memory_space<hbm>>) target(%arg10 : memref<128x128xf32, #tpu.memory_space<vmem>>) offsets(%dma_start3A_62 : memref<128xi32, #tpu.memory_space<vmem>>) semaphore(%arg13 : memref<!tpu.dma_semaphore, #tpu.memory_space<semaphore_mem>>)
        } else {
        }
        "tpu.region"() ({
          %run_scoped3A = tpu.sem_alloc : memref<!tpu.dma_semaphore, #tpu.memory_space<semaphore_mem>>
          %dma_start3A_58 = arith.constant 0 : i32
          %dma_start3A_59 = tpu.memref_slice %arg8[%add3A_27, %dma_start3A_58] : memref<40x128xi32, #tpu.memory_space<vmem>> -> memref<1x128xi32, #tpu.memory_space<vmem>>
          %dma_start3A_60 = tpu.memref_squeeze %dma_start3A_59 : memref<1x128xi32, #tpu.memory_space<vmem>> -> memref<128xi32, #tpu.memory_space<vmem>>
          %dma_start3A_61 = arith.constant 0 : i32
          %dma_start3A_62 = arith.constant 0 : i32
          %dma_start3A_63 = tpu.memref_slice %arg11[%dma_start3A_61, %dma_start3A_62] : memref<10112x128xf32, #tpu.memory_space<vmem_shared>> -> memref<10112x128xf32, #tpu.memory_space<vmem_shared>>
          tpu.enqueue_indirect_dma source(%arg9 : memref<128x128xf32, #tpu.memory_space<vmem>>) target(%dma_start3A_63 : memref<10112x128xf32, #tpu.memory_space<vmem_shared>>) offsets(%dma_start3A_60 : memref<128xi32, #tpu.memory_space<vmem>>) semaphore(%run_scoped3A : memref<!tpu.dma_semaphore, #tpu.memory_space<semaphore_mem>>) {add = true}
          %dma_wait3A_64 = arith.constant 0 : i32
          %dma_wait3A_65 = tpu.memref_slice %arg8[%add3A_27, %dma_wait3A_64] : memref<40x128xi32, #tpu.memory_space<vmem>> -> memref<1x128xi32, #tpu.memory_space<vmem>>
          %dma_wait3A_66 = tpu.memref_squeeze %dma_wait3A_65 : memref<1x128xi32, #tpu.memory_space<vmem>> -> memref<128xi32, #tpu.memory_space<vmem>>
          %dma_wait3A_67 = arith.constant 0 : i32
          %dma_wait3A_68 = arith.constant 0 : i32
          %dma_wait3A_69 = tpu.memref_slice %arg11[%dma_wait3A_67, %dma_wait3A_68] : memref<10112x128xf32, #tpu.memory_space<vmem_shared>> -> memref<10112x128xf32, #tpu.memory_space<vmem_shared>>
          tpu.wait_indirect_dma semaphore(%run_scoped3A : memref<!tpu.dma_semaphore, #tpu.memory_space<semaphore_mem>>) src(%arg9 : memref<128x128xf32, #tpu.memory_space<vmem>>) dst(%dma_wait3A_69 : memref<10112x128xf32, #tpu.memory_space<vmem_shared>>)
          tpu.yield
        }) : () -> ()
        %add3A_41 = arith.constant 1 : i32
        %add3A_42 = arith.addi %add3A_25, %add3A_41 : i32
        %add3A_43 = arith.constant 0 : i32
        %add3A_44 = arith.addi %add3A_43, %add3A_42 : i32
        %dma_wait3A_45 = arith.constant 0 : i32
        %dma_wait3A_46 = tpu.memref_slice %arg7[%add3A_44, %dma_wait3A_45] : memref<80x128xi32, #tpu.memory_space<vmem>> -> memref<1x128xi32, #tpu.memory_space<vmem>>
        %dma_wait3A_47 = tpu.memref_squeeze %dma_wait3A_46 : memref<1x128xi32, #tpu.memory_space<vmem>> -> memref<128xi32, #tpu.memory_space<vmem>>
        %dma_wait3A_48 = arith.constant 0 : i32
        %dma_wait3A_49 = arith.constant 0 : i32
        %dma_wait3A_50 = tpu.memref_slice %arg2[%dma_wait3A_48, %dma_wait3A_49] : memref<10112x128xf32, #tpu.memory_space<hbm>> -> memref<10112x128xf32, #tpu.memory_space<hbm>>
        tpu.wait_indirect_dma semaphore(%arg13 : memref<!tpu.dma_semaphore, #tpu.memory_space<semaphore_mem>>) src(%dma_wait3A_50 : memref<10112x128xf32, #tpu.memory_space<hbm>>) dst(%arg10 : memref<128x128xf32, #tpu.memory_space<vmem>>)
        %add3A_51 = arith.constant 1 : i32
        %add3A_52 = arith.addi %add3A_44, %add3A_51 : i32
        %lt3A_53 = arith.constant 80 : i32
        %lt3A_54 = arith.cmpi slt, %add3A_52, %lt3A_53 : i32
        %convert_element_type3A_55 = arith.extui %lt3A_54 : i1 to i32
        %cond3A_56 = arith.constant 0 : i32
        %cond3A_57 = arith.cmpi ne, %convert_element_type3A_55, %cond3A_56 : i32
        scf.if %cond3A_57 {
          %add3A_58 = arith.constant 1 : i32
          %add3A_59 = arith.addi %add3A_44, %add3A_58 : i32
          %dma_start3A_60 = arith.constant 0 : i32
          %dma_start3A_61 = tpu.memref_slice %arg7[%add3A_59, %dma_start3A_60] : memref<80x128xi32, #tpu.memory_space<vmem>> -> memref<1x128xi32, #tpu.memory_space<vmem>>
          %dma_start3A_62 = tpu.memref_squeeze %dma_start3A_61 : memref<1x128xi32, #tpu.memory_space<vmem>> -> memref<128xi32, #tpu.memory_space<vmem>>
          %dma_start3A_63 = arith.constant 0 : i32
          %dma_start3A_64 = arith.constant 0 : i32
          %dma_start3A_65 = tpu.memref_slice %arg2[%dma_start3A_63, %dma_start3A_64] : memref<10112x128xf32, #tpu.memory_space<hbm>> -> memref<10112x128xf32, #tpu.memory_space<hbm>>
          tpu.enqueue_indirect_dma source(%dma_start3A_65 : memref<10112x128xf32, #tpu.memory_space<hbm>>) target(%arg9 : memref<128x128xf32, #tpu.memory_space<vmem>>) offsets(%dma_start3A_62 : memref<128xi32, #tpu.memory_space<vmem>>) semaphore(%arg12 : memref<!tpu.dma_semaphore, #tpu.memory_space<semaphore_mem>>)
        } else {
        }
        "tpu.region"() ({
          %run_scoped3A = tpu.sem_alloc : memref<!tpu.dma_semaphore, #tpu.memory_space<semaphore_mem>>
          %dma_start3A_58 = arith.constant 0 : i32
          %dma_start3A_59 = tpu.memref_slice %arg8[%add3A_42, %dma_start3A_58] : memref<40x128xi32, #tpu.memory_space<vmem>> -> memref<1x128xi32, #tpu.memory_space<vmem>>
          %dma_start3A_60 = tpu.memref_squeeze %dma_start3A_59 : memref<1x128xi32, #tpu.memory_space<vmem>> -> memref<128xi32, #tpu.memory_space<vmem>>
          %dma_start3A_61 = arith.constant 0 : i32
          %dma_start3A_62 = arith.constant 0 : i32
          %dma_start3A_63 = tpu.memref_slice %arg11[%dma_start3A_61, %dma_start3A_62] : memref<10112x128xf32, #tpu.memory_space<vmem_shared>> -> memref<10112x128xf32, #tpu.memory_space<vmem_shared>>
          tpu.enqueue_indirect_dma source(%arg10 : memref<128x128xf32, #tpu.memory_space<vmem>>) target(%dma_start3A_63 : memref<10112x128xf32, #tpu.memory_space<vmem_shared>>) offsets(%dma_start3A_60 : memref<128xi32, #tpu.memory_space<vmem>>) semaphore(%run_scoped3A : memref<!tpu.dma_semaphore, #tpu.memory_space<semaphore_mem>>) {add = true}
          %dma_wait3A_64 = arith.constant 0 : i32
          %dma_wait3A_65 = tpu.memref_slice %arg8[%add3A_42, %dma_wait3A_64] : memref<40x128xi32, #tpu.memory_space<vmem>> -> memref<1x128xi32, #tpu.memory_space<vmem>>
          %dma_wait3A_66 = tpu.memref_squeeze %dma_wait3A_65 : memref<1x128xi32, #tpu.memory_space<vmem>> -> memref<128xi32, #tpu.memory_space<vmem>>
          %dma_wait3A_67 = arith.constant 0 : i32
          %dma_wait3A_68 = arith.constant 0 : i32
          %dma_wait3A_69 = tpu.memref_slice %arg11[%dma_wait3A_67, %dma_wait3A_68] : memref<10112x128xf32, #tpu.memory_space<vmem_shared>> -> memref<10112x128xf32, #tpu.memory_space<vmem_shared>>
          tpu.wait_indirect_dma semaphore(%run_scoped3A : memref<!tpu.dma_semaphore, #tpu.memory_space<semaphore_mem>>) src(%arg10 : memref<128x128xf32, #tpu.memory_space<vmem>>) dst(%dma_wait3A_69 : memref<10112x128xf32, #tpu.memory_space<vmem_shared>>)
          tpu.yield
        }) : () -> ()
      }
      %scan3A_15 = arith.constant 20 : i32
      "tpu.region"() ({
        %run_scoped3A = tpu.sem_alloc : memref<!tpu.dma_semaphore, #tpu.memory_space<semaphore_mem>>
        %dma_start3A_21 = arith.constant 40 : i32
        %dma_start3A_22 = arith.constant 0 : i32
        %dma_start3A_23 = tpu.memref_slice %arg4[%add3A, %dma_start3A_21, %dma_start3A_22] : memref<32x80x128xi32, #tpu.memory_space<hbm>> -> memref<1x40x128xi32, #tpu.memory_space<hbm>>
        %dma_start3A_24 = tpu.memref_squeeze %dma_start3A_23 : memref<1x40x128xi32, #tpu.memory_space<hbm>> -> memref<40x128xi32, #tpu.memory_space<hbm>>
        %dma_start3A_25 = arith.constant 40 : i32
        %dma_start3A_26 = arith.constant 0 : i32
        %dma_start3A_27 = tpu.memref_slice %arg4[%add3A, %dma_start3A_25, %dma_start3A_26] : memref<32x80x128xi32, #tpu.memory_space<hbm>> -> memref<1x40x128xi32, #tpu.memory_space<hbm>>
        %dma_start3A_28 = tpu.memref_squeeze %dma_start3A_27 : memref<1x40x128xi32, #tpu.memory_space<hbm>> -> memref<40x128xi32, #tpu.memory_space<hbm>>
        tpu.enqueue_dma source(%dma_start3A_28 : memref<40x128xi32, #tpu.memory_space<hbm>>) target(%arg8 : memref<40x128xi32, #tpu.memory_space<vmem>>) target_semaphore(%run_scoped3A : memref<!tpu.dma_semaphore, #tpu.memory_space<semaphore_mem>>)
        %dma_wait3A = arith.constant 40 : i32
        %dma_wait3A_29 = arith.constant 0 : i32
        %dma_wait3A_30 = tpu.memref_slice %arg4[%add3A, %dma_wait3A, %dma_wait3A_29] : memref<32x80x128xi32, #tpu.memory_space<hbm>> -> memref<1x40x128xi32, #tpu.memory_space<hbm>>
        %dma_wait3A_31 = tpu.memref_squeeze %dma_wait3A_30 : memref<1x40x128xi32, #tpu.memory_space<hbm>> -> memref<40x128xi32, #tpu.memory_space<hbm>>
        %dma_wait3A_32 = arith.constant 40 : i32
        %dma_wait3A_33 = arith.constant 0 : i32
        %dma_wait3A_34 = tpu.memref_slice %arg4[%add3A, %dma_wait3A_32, %dma_wait3A_33] : memref<32x80x128xi32, #tpu.memory_space<hbm>> -> memref<1x40x128xi32, #tpu.memory_space<hbm>>
        %dma_wait3A_35 = tpu.memref_squeeze %dma_wait3A_34 : memref<1x40x128xi32, #tpu.memory_space<hbm>> -> memref<40x128xi32, #tpu.memory_space<hbm>>
        tpu.wait_dma2 semaphore(%run_scoped3A : memref<!tpu.dma_semaphore, #tpu.memory_space<semaphore_mem>>) src(%dma_wait3A_35 : memref<40x128xi32, #tpu.memory_space<hbm>>) dst(%arg8 : memref<40x128xi32, #tpu.memory_space<vmem>>)
        tpu.yield
      }) : () -> ()
      %scan3A_16 = arith.constant 0 : i32
      %scan3A_17 = arith.constant 20 : i32
      %scan3A_18 = arith.addi %scan3A_16, %scan3A_17 : i32
      %scan3A_19 = arith.constant 1 : i32
      scf.for %scan3A_21 = %scan3A_16 to %scan3A_18 step %scan3A_19  : i32 {
        %mul3A_22 = arith.constant 2 : i32
        %mul3A_23 = arith.muli %scan3A_21, %mul3A_22 : i32
        %add3A_24 = arith.constant 0 : i32
        %add3A_25 = arith.addi %add3A_24, %mul3A_23 : i32
        %add3A_26 = arith.constant 0 : i32
        %add3A_27 = arith.addi %add3A_25, %add3A_26 : i32
        %add3A_28 = arith.constant 40 : i32
        %add3A_29 = arith.addi %add3A_28, %add3A_27 : i32
        %dma_wait3A = arith.constant 0 : i32
        %dma_wait3A_30 = tpu.memref_slice %arg7[%add3A_29, %dma_wait3A] : memref<80x128xi32, #tpu.memory_space<vmem>> -> memref<1x128xi32, #tpu.memory_space<vmem>>
        %dma_wait3A_31 = tpu.memref_squeeze %dma_wait3A_30 : memref<1x128xi32, #tpu.memory_space<vmem>> -> memref<128xi32, #tpu.memory_space<vmem>>
        %dma_wait3A_32 = arith.constant 0 : i32
        %dma_wait3A_33 = arith.constant 0 : i32
        %dma_wait3A_34 = tpu.memref_slice %arg2[%dma_wait3A_32, %dma_wait3A_33] : memref<10112x128xf32, #tpu.memory_space<hbm>> -> memref<10112x128xf32, #tpu.memory_space<hbm>>
        tpu.wait_indirect_dma semaphore(%arg12 : memref<!tpu.dma_semaphore, #tpu.memory_space<semaphore_mem>>) src(%dma_wait3A_34 : memref<10112x128xf32, #tpu.memory_space<hbm>>) dst(%arg9 : memref<128x128xf32, #tpu.memory_space<vmem>>)
        %add3A_35 = arith.constant 1 : i32
        %add3A_36 = arith.addi %add3A_29, %add3A_35 : i32
        %lt3A = arith.constant 80 : i32
        %lt3A_37 = arith.cmpi slt, %add3A_36, %lt3A : i32
        %convert_element_type3A_38 = arith.extui %lt3A_37 : i1 to i32
        %cond3A_39 = arith.constant 0 : i32
        %cond3A_40 = arith.cmpi ne, %convert_element_type3A_38, %cond3A_39 : i32
        scf.if %cond3A_40 {
          %add3A_58 = arith.constant 1 : i32
          %add3A_59 = arith.addi %add3A_29, %add3A_58 : i32
          %dma_start3A_60 = arith.constant 0 : i32
          %dma_start3A_61 = tpu.memref_slice %arg7[%add3A_59, %dma_start3A_60] : memref<80x128xi32, #tpu.memory_space<vmem>> -> memref<1x128xi32, #tpu.memory_space<vmem>>
          %dma_start3A_62 = tpu.memref_squeeze %dma_start3A_61 : memref<1x128xi32, #tpu.memory_space<vmem>> -> memref<128xi32, #tpu.memory_space<vmem>>
          %dma_start3A_63 = arith.constant 0 : i32
          %dma_start3A_64 = arith.constant 0 : i32
          %dma_start3A_65 = tpu.memref_slice %arg2[%dma_start3A_63, %dma_start3A_64] : memref<10112x128xf32, #tpu.memory_space<hbm>> -> memref<10112x128xf32, #tpu.memory_space<hbm>>
          tpu.enqueue_indirect_dma source(%dma_start3A_65 : memref<10112x128xf32, #tpu.memory_space<hbm>>) target(%arg10 : memref<128x128xf32, #tpu.memory_space<vmem>>) offsets(%dma_start3A_62 : memref<128xi32, #tpu.memory_space<vmem>>) semaphore(%arg13 : memref<!tpu.dma_semaphore, #tpu.memory_space<semaphore_mem>>)
        } else {
        }
        "tpu.region"() ({
          %run_scoped3A = tpu.sem_alloc : memref<!tpu.dma_semaphore, #tpu.memory_space<semaphore_mem>>
          %dma_start3A_58 = arith.constant 0 : i32
          %dma_start3A_59 = tpu.memref_slice %arg8[%add3A_27, %dma_start3A_58] : memref<40x128xi32, #tpu.memory_space<vmem>> -> memref<1x128xi32, #tpu.memory_space<vmem>>
          %dma_start3A_60 = tpu.memref_squeeze %dma_start3A_59 : memref<1x128xi32, #tpu.memory_space<vmem>> -> memref<128xi32, #tpu.memory_space<vmem>>
          %dma_start3A_61 = arith.constant 0 : i32
          %dma_start3A_62 = arith.constant 0 : i32
          %dma_start3A_63 = tpu.memref_slice %arg11[%dma_start3A_61, %dma_start3A_62] : memref<10112x128xf32, #tpu.memory_space<vmem_shared>> -> memref<10112x128xf32, #tpu.memory_space<vmem_shared>>
          tpu.enqueue_indirect_dma source(%arg9 : memref<128x128xf32, #tpu.memory_space<vmem>>) target(%dma_start3A_63 : memref<10112x128xf32, #tpu.memory_space<vmem_shared>>) offsets(%dma_start3A_60 : memref<128xi32, #tpu.memory_space<vmem>>) semaphore(%run_scoped3A : memref<!tpu.dma_semaphore, #tpu.memory_space<semaphore_mem>>) {add = true}
          %dma_wait3A_64 = arith.constant 0 : i32
          %dma_wait3A_65 = tpu.memref_slice %arg8[%add3A_27, %dma_wait3A_64] : memref<40x128xi32, #tpu.memory_space<vmem>> -> memref<1x128xi32, #tpu.memory_space<vmem>>
          %dma_wait3A_66 = tpu.memref_squeeze %dma_wait3A_65 : memref<1x128xi32, #tpu.memory_space<vmem>> -> memref<128xi32, #tpu.memory_space<vmem>>
          %dma_wait3A_67 = arith.constant 0 : i32
          %dma_wait3A_68 = arith.constant 0 : i32
          %dma_wait3A_69 = tpu.memref_slice %arg11[%dma_wait3A_67, %dma_wait3A_68] : memref<10112x128xf32, #tpu.memory_space<vmem_shared>> -> memref<10112x128xf32, #tpu.memory_space<vmem_shared>>
          tpu.wait_indirect_dma semaphore(%run_scoped3A : memref<!tpu.dma_semaphore, #tpu.memory_space<semaphore_mem>>) src(%arg9 : memref<128x128xf32, #tpu.memory_space<vmem>>) dst(%dma_wait3A_69 : memref<10112x128xf32, #tpu.memory_space<vmem_shared>>)
          tpu.yield
        }) : () -> ()
        %add3A_41 = arith.constant 1 : i32
        %add3A_42 = arith.addi %add3A_25, %add3A_41 : i32
        %add3A_43 = arith.constant 40 : i32
        %add3A_44 = arith.addi %add3A_43, %add3A_42 : i32
        %dma_wait3A_45 = arith.constant 0 : i32
        %dma_wait3A_46 = tpu.memref_slice %arg7[%add3A_44, %dma_wait3A_45] : memref<80x128xi32, #tpu.memory_space<vmem>> -> memref<1x128xi32, #tpu.memory_space<vmem>>
        %dma_wait3A_47 = tpu.memref_squeeze %dma_wait3A_46 : memref<1x128xi32, #tpu.memory_space<vmem>> -> memref<128xi32, #tpu.memory_space<vmem>>
        %dma_wait3A_48 = arith.constant 0 : i32
        %dma_wait3A_49 = arith.constant 0 : i32
        %dma_wait3A_50 = tpu.memref_slice %arg2[%dma_wait3A_48, %dma_wait3A_49] : memref<10112x128xf32, #tpu.memory_space<hbm>> -> memref<10112x128xf32, #tpu.memory_space<hbm>>
        tpu.wait_indirect_dma semaphore(%arg13 : memref<!tpu.dma_semaphore, #tpu.memory_space<semaphore_mem>>) src(%dma_wait3A_50 : memref<10112x128xf32, #tpu.memory_space<hbm>>) dst(%arg10 : memref<128x128xf32, #tpu.memory_space<vmem>>)
        %add3A_51 = arith.constant 1 : i32
        %add3A_52 = arith.addi %add3A_44, %add3A_51 : i32
        %lt3A_53 = arith.constant 80 : i32
        %lt3A_54 = arith.cmpi slt, %add3A_52, %lt3A_53 : i32
        %convert_element_type3A_55 = arith.extui %lt3A_54 : i1 to i32
        %cond3A_56 = arith.constant 0 : i32
        %cond3A_57 = arith.cmpi ne, %convert_element_type3A_55, %cond3A_56 : i32
        scf.if %cond3A_57 {
          %add3A_58 = arith.constant 1 : i32
          %add3A_59 = arith.addi %add3A_44, %add3A_58 : i32
          %dma_start3A_60 = arith.constant 0 : i32
          %dma_start3A_61 = tpu.memref_slice %arg7[%add3A_59, %dma_start3A_60] : memref<80x128xi32, #tpu.memory_space<vmem>> -> memref<1x128xi32, #tpu.memory_space<vmem>>
          %dma_start3A_62 = tpu.memref_squeeze %dma_start3A_61 : memref<1x128xi32, #tpu.memory_space<vmem>> -> memref<128xi32, #tpu.memory_space<vmem>>
          %dma_start3A_63 = arith.constant 0 : i32
          %dma_start3A_64 = arith.constant 0 : i32
          %dma_start3A_65 = tpu.memref_slice %arg2[%dma_start3A_63, %dma_start3A_64] : memref<10112x128xf32, #tpu.memory_space<hbm>> -> memref<10112x128xf32, #tpu.memory_space<hbm>>
          tpu.enqueue_indirect_dma source(%dma_start3A_65 : memref<10112x128xf32, #tpu.memory_space<hbm>>) target(%arg9 : memref<128x128xf32, #tpu.memory_space<vmem>>) offsets(%dma_start3A_62 : memref<128xi32, #tpu.memory_space<vmem>>) semaphore(%arg12 : memref<!tpu.dma_semaphore, #tpu.memory_space<semaphore_mem>>)
        } else {
        }
        "tpu.region"() ({
          %run_scoped3A = tpu.sem_alloc : memref<!tpu.dma_semaphore, #tpu.memory_space<semaphore_mem>>
          %dma_start3A_58 = arith.constant 0 : i32
          %dma_start3A_59 = tpu.memref_slice %arg8[%add3A_42, %dma_start3A_58] : memref<40x128xi32, #tpu.memory_space<vmem>> -> memref<1x128xi32, #tpu.memory_space<vmem>>
          %dma_start3A_60 = tpu.memref_squeeze %dma_start3A_59 : memref<1x128xi32, #tpu.memory_space<vmem>> -> memref<128xi32, #tpu.memory_space<vmem>>
          %dma_start3A_61 = arith.constant 0 : i32
          %dma_start3A_62 = arith.constant 0 : i32
          %dma_start3A_63 = tpu.memref_slice %arg11[%dma_start3A_61, %dma_start3A_62] : memref<10112x128xf32, #tpu.memory_space<vmem_shared>> -> memref<10112x128xf32, #tpu.memory_space<vmem_shared>>
          tpu.enqueue_indirect_dma source(%arg10 : memref<128x128xf32, #tpu.memory_space<vmem>>) target(%dma_start3A_63 : memref<10112x128xf32, #tpu.memory_space<vmem_shared>>) offsets(%dma_start3A_60 : memref<128xi32, #tpu.memory_space<vmem>>) semaphore(%run_scoped3A : memref<!tpu.dma_semaphore, #tpu.memory_space<semaphore_mem>>) {add = true}
          %dma_wait3A_64 = arith.constant 0 : i32
          %dma_wait3A_65 = tpu.memref_slice %arg8[%add3A_42, %dma_wait3A_64] : memref<40x128xi32, #tpu.memory_space<vmem>> -> memref<1x128xi32, #tpu.memory_space<vmem>>
          %dma_wait3A_66 = tpu.memref_squeeze %dma_wait3A_65 : memref<1x128xi32, #tpu.memory_space<vmem>> -> memref<128xi32, #tpu.memory_space<vmem>>
          %dma_wait3A_67 = arith.constant 0 : i32
          %dma_wait3A_68 = arith.constant 0 : i32
          %dma_wait3A_69 = tpu.memref_slice %arg11[%dma_wait3A_67, %dma_wait3A_68] : memref<10112x128xf32, #tpu.memory_space<vmem_shared>> -> memref<10112x128xf32, #tpu.memory_space<vmem_shared>>
          tpu.wait_indirect_dma semaphore(%run_scoped3A : memref<!tpu.dma_semaphore, #tpu.memory_space<semaphore_mem>>) src(%arg10 : memref<128x128xf32, #tpu.memory_space<vmem>>) dst(%dma_wait3A_69 : memref<10112x128xf32, #tpu.memory_space<vmem_shared>>)
          tpu.yield
        }) : () -> ()
      }
      %scan3A_20 = arith.constant 20 : i32
    } else {
    }
    %barrier3A_5 = arith.constant 0 : index
    tpu.barrier barrier_id(%barrier3A_5)
    "tpu.region"() ({
      %run_scoped3A = tpu.sem_alloc : memref<!tpu.dma_semaphore, #tpu.memory_space<semaphore_mem>>
      %dma_start3A = arith.constant 0 : i32
      %dma_start3A_6 = tpu.memref_slice %arg6[%arg0, %mul3A_2, %dma_start3A] : memref<2x10112x128xf32, #tpu.memory_space<hbm>> -> memref<1x632x128xf32, #tpu.memory_space<hbm>>
      %dma_start3A_7 = tpu.memref_squeeze %dma_start3A_6 : memref<1x632x128xf32, #tpu.memory_space<hbm>> -> memref<632x128xf32, #tpu.memory_space<hbm>>
      %dma_start3A_8 = arith.constant 0 : i32
      %dma_start3A_9 = tpu.memref_slice %arg11[%mul3A_2, %dma_start3A_8] : memref<10112x128xf32, #tpu.memory_space<vmem_shared>> -> memref<632x128xf32, #tpu.memory_space<vmem_shared>>
      tpu.enqueue_dma source(%dma_start3A_9 : memref<632x128xf32, #tpu.memory_space<vmem_shared>>) target(%dma_start3A_7 : memref<632x128xf32, #tpu.memory_space<hbm>>) target_semaphore(%run_scoped3A : memref<!tpu.dma_semaphore, #tpu.memory_space<semaphore_mem>>)
      %dma_wait3A = arith.constant 0 : i32
      %dma_wait3A_10 = tpu.memref_slice %arg6[%arg0, %mul3A_2, %dma_wait3A] : memref<2x10112x128xf32, #tpu.memory_space<hbm>> -> memref<1x632x128xf32, #tpu.memory_space<hbm>>
      %dma_wait3A_11 = tpu.memref_squeeze %dma_wait3A_10 : memref<1x632x128xf32, #tpu.memory_space<hbm>> -> memref<632x128xf32, #tpu.memory_space<hbm>>
      %dma_wait3A_12 = arith.constant 0 : i32
      %dma_wait3A_13 = tpu.memref_slice %arg11[%mul3A_2, %dma_wait3A_12] : memref<10112x128xf32, #tpu.memory_space<vmem_shared>> -> memref<632x128xf32, #tpu.memory_space<vmem_shared>>
      tpu.wait_dma2 semaphore(%run_scoped3A : memref<!tpu.dma_semaphore, #tpu.memory_space<semaphore_mem>>) src(%dma_wait3A_13 : memref<632x128xf32, #tpu.memory_space<vmem_shared>>) dst(%dma_wait3A_11 : memref<632x128xf32, #tpu.memory_space<hbm>>)
      tpu.yield
    }) : () -> ()
    return
  }
}

#map = affine_map<(d0, d1) -> (0, 0, 0)>
#map1 = affine_map<(d0, d1) -> (0, 0)>
module attributes {stable_mosaic.version = 14 : i64} {
  func.func @_deg_body(%arg0: i32, %arg1: i32, %arg2: memref<32x80x128xi32, #tpu.memory_space<hbm>>, %arg3: memref<10112x128xf32, #tpu.memory_space<hbm>>, %arg4: memref<128x128xf32, #tpu.memory_space<hbm>>, %arg5: memref<2x10112x128xf32, #tpu.memory_space<hbm>>, %arg6: memref<80x128xi32, #tpu.memory_space<vmem>>, %arg7: memref<128x128xf32, #tpu.memory_space<vmem>>, %arg8: memref<10112x128xf32, #tpu.memory_space<vmem_shared>>, %arg9: memref<!tpu.dma_semaphore, #tpu.memory_space<semaphore_mem>>) attributes {dimension_semantics = [#tpu.dimension_semantics<core_parallel>, #tpu.dimension_semantics<subcore_parallel>], iteration_bounds = array<i64: 2, 16>, scalar_prefetch = 0 : i64, scratch_operands = 4 : i64, tpu.core_type = #tpu.core_type<sc_vector_subcore>, window_params = [{transform_indices = #map}, {transform_indices = #map1}, {transform_indices = #map1}, {transform_indices = #map}]} {
    %mul3A = arith.constant 2 : i32
    %mul3A_0 = arith.muli %arg1, %mul3A : i32
    %add3A = arith.addi %mul3A_0, %arg0 : i32
    %mul3A_1 = arith.constant 632 : i32
    %mul3A_2 = arith.muli %arg1, %mul3A_1 : i32
    "tpu.region"() ({
      %run_scoped3A = tpu.sem_alloc : memref<!tpu.dma_semaphore, #tpu.memory_space<semaphore_mem>>
      %dma_start3A = arith.constant 0 : i32
      %dma_start3A_8 = tpu.memref_slice %arg8[%mul3A_2, %dma_start3A] : memref<10112x128xf32, #tpu.memory_space<vmem_shared>> -> memref<632x128xf32, #tpu.memory_space<vmem_shared>>
      %dma_start3A_9 = arith.constant 0 : i32
      %dma_start3A_10 = tpu.memref_slice %arg3[%mul3A_2, %dma_start3A_9] : memref<10112x128xf32, #tpu.memory_space<hbm>> -> memref<632x128xf32, #tpu.memory_space<hbm>>
      tpu.enqueue_dma source(%dma_start3A_10 : memref<632x128xf32, #tpu.memory_space<hbm>>) target(%dma_start3A_8 : memref<632x128xf32, #tpu.memory_space<vmem_shared>>) target_semaphore(%run_scoped3A : memref<!tpu.dma_semaphore, #tpu.memory_space<semaphore_mem>>)
      %dma_wait3A = arith.constant 0 : i32
      %dma_wait3A_11 = tpu.memref_slice %arg8[%mul3A_2, %dma_wait3A] : memref<10112x128xf32, #tpu.memory_space<vmem_shared>> -> memref<632x128xf32, #tpu.memory_space<vmem_shared>>
      %dma_wait3A_12 = arith.constant 0 : i32
      %dma_wait3A_13 = tpu.memref_slice %arg3[%mul3A_2, %dma_wait3A_12] : memref<10112x128xf32, #tpu.memory_space<hbm>> -> memref<632x128xf32, #tpu.memory_space<hbm>>
      tpu.wait_dma2 semaphore(%run_scoped3A : memref<!tpu.dma_semaphore, #tpu.memory_space<semaphore_mem>>) src(%dma_wait3A_13 : memref<632x128xf32, #tpu.memory_space<hbm>>) dst(%dma_wait3A_11 : memref<632x128xf32, #tpu.memory_space<vmem_shared>>)
      tpu.yield
    }) : () -> ()
    "tpu.region"() ({
      %run_scoped3A = tpu.sem_alloc : memref<!tpu.dma_semaphore, #tpu.memory_space<semaphore_mem>>
      %dma_start3A = arith.constant 0 : i32
      %dma_start3A_8 = arith.constant 0 : i32
      %dma_start3A_9 = tpu.memref_slice %arg2[%add3A, %dma_start3A, %dma_start3A_8] : memref<32x80x128xi32, #tpu.memory_space<hbm>> -> memref<1x80x128xi32, #tpu.memory_space<hbm>>
      %dma_start3A_10 = tpu.memref_squeeze %dma_start3A_9 : memref<1x80x128xi32, #tpu.memory_space<hbm>> -> memref<80x128xi32, #tpu.memory_space<hbm>>
      %dma_start3A_11 = arith.constant 0 : i32
      %dma_start3A_12 = arith.constant 0 : i32
      %dma_start3A_13 = tpu.memref_slice %arg2[%add3A, %dma_start3A_11, %dma_start3A_12] : memref<32x80x128xi32, #tpu.memory_space<hbm>> -> memref<1x80x128xi32, #tpu.memory_space<hbm>>
      %dma_start3A_14 = tpu.memref_squeeze %dma_start3A_13 : memref<1x80x128xi32, #tpu.memory_space<hbm>> -> memref<80x128xi32, #tpu.memory_space<hbm>>
      tpu.enqueue_dma source(%dma_start3A_14 : memref<80x128xi32, #tpu.memory_space<hbm>>) target(%arg6 : memref<80x128xi32, #tpu.memory_space<vmem>>) target_semaphore(%run_scoped3A : memref<!tpu.dma_semaphore, #tpu.memory_space<semaphore_mem>>)
      %dma_wait3A = arith.constant 0 : i32
      %dma_wait3A_15 = arith.constant 0 : i32
      %dma_wait3A_16 = tpu.memref_slice %arg2[%add3A, %dma_wait3A, %dma_wait3A_15] : memref<32x80x128xi32, #tpu.memory_space<hbm>> -> memref<1x80x128xi32, #tpu.memory_space<hbm>>
      %dma_wait3A_17 = tpu.memref_squeeze %dma_wait3A_16 : memref<1x80x128xi32, #tpu.memory_space<hbm>> -> memref<80x128xi32, #tpu.memory_space<hbm>>
      %dma_wait3A_18 = arith.constant 0 : i32
      %dma_wait3A_19 = arith.constant 0 : i32
      %dma_wait3A_20 = tpu.memref_slice %arg2[%add3A, %dma_wait3A_18, %dma_wait3A_19] : memref<32x80x128xi32, #tpu.memory_space<hbm>> -> memref<1x80x128xi32, #tpu.memory_space<hbm>>
      %dma_wait3A_21 = tpu.memref_squeeze %dma_wait3A_20 : memref<1x80x128xi32, #tpu.memory_space<hbm>> -> memref<80x128xi32, #tpu.memory_space<hbm>>
      tpu.wait_dma2 semaphore(%run_scoped3A : memref<!tpu.dma_semaphore, #tpu.memory_space<semaphore_mem>>) src(%dma_wait3A_21 : memref<80x128xi32, #tpu.memory_space<hbm>>) dst(%arg6 : memref<80x128xi32, #tpu.memory_space<vmem>>)
      tpu.yield
    }) : () -> ()
    "tpu.region"() ({
      %run_scoped3A = tpu.sem_alloc : memref<!tpu.dma_semaphore, #tpu.memory_space<semaphore_mem>>
      tpu.enqueue_dma source(%arg4 : memref<128x128xf32, #tpu.memory_space<hbm>>) target(%arg7 : memref<128x128xf32, #tpu.memory_space<vmem>>) target_semaphore(%run_scoped3A : memref<!tpu.dma_semaphore, #tpu.memory_space<semaphore_mem>>)
      tpu.wait_dma2 semaphore(%run_scoped3A : memref<!tpu.dma_semaphore, #tpu.memory_space<semaphore_mem>>) src(%arg4 : memref<128x128xf32, #tpu.memory_space<hbm>>) dst(%arg7 : memref<128x128xf32, #tpu.memory_space<vmem>>)
      tpu.yield
    }) : () -> ()
    %barrier3A = arith.constant 0 : index
    tpu.barrier barrier_id(%barrier3A)
    %scan3A = arith.constant 0 : i32
    %scan3A_3 = arith.constant 80 : i32
    %scan3A_4 = arith.addi %scan3A, %scan3A_3 : i32
    %scan3A_5 = arith.constant 1 : i32
    scf.for %scan3A_8 = %scan3A to %scan3A_4 step %scan3A_5  : i32 {
      %mul3A_9 = arith.constant 1 : i32
      %mul3A_10 = arith.muli %scan3A_8, %mul3A_9 : i32
      %add3A_11 = arith.constant 0 : i32
      %add3A_12 = arith.addi %add3A_11, %mul3A_10 : i32
      "tpu.region"() ({
        %run_scoped3A = tpu.sem_alloc : memref<!tpu.dma_semaphore, #tpu.memory_space<semaphore_mem>>
        %dma_start3A = arith.constant 0 : i32
        %dma_start3A_13 = tpu.memref_slice %arg6[%add3A_12, %dma_start3A] : memref<80x128xi32, #tpu.memory_space<vmem>> -> memref<1x128xi32, #tpu.memory_space<vmem>>
        %dma_start3A_14 = tpu.memref_squeeze %dma_start3A_13 : memref<1x128xi32, #tpu.memory_space<vmem>> -> memref<128xi32, #tpu.memory_space<vmem>>
        %dma_start3A_15 = arith.constant 0 : i32
        %dma_start3A_16 = arith.constant 0 : i32
        %dma_start3A_17 = tpu.memref_slice %arg8[%dma_start3A_15, %dma_start3A_16] : memref<10112x128xf32, #tpu.memory_space<vmem_shared>> -> memref<10112x128xf32, #tpu.memory_space<vmem_shared>>
        tpu.enqueue_indirect_dma source(%arg7 : memref<128x128xf32, #tpu.memory_space<vmem>>) target(%dma_start3A_17 : memref<10112x128xf32, #tpu.memory_space<vmem_shared>>) offsets(%dma_start3A_14 : memref<128xi32, #tpu.memory_space<vmem>>) semaphore(%run_scoped3A : memref<!tpu.dma_semaphore, #tpu.memory_space<semaphore_mem>>) {add = true}
        %dma_wait3A = arith.constant 0 : i32
        %dma_wait3A_18 = tpu.memref_slice %arg6[%add3A_12, %dma_wait3A] : memref<80x128xi32, #tpu.memory_space<vmem>> -> memref<1x128xi32, #tpu.memory_space<vmem>>
        %dma_wait3A_19 = tpu.memref_squeeze %dma_wait3A_18 : memref<1x128xi32, #tpu.memory_space<vmem>> -> memref<128xi32, #tpu.memory_space<vmem>>
        %dma_wait3A_20 = arith.constant 0 : i32
        %dma_wait3A_21 = arith.constant 0 : i32
        %dma_wait3A_22 = tpu.memref_slice %arg8[%dma_wait3A_20, %dma_wait3A_21] : memref<10112x128xf32, #tpu.memory_space<vmem_shared>> -> memref<10112x128xf32, #tpu.memory_space<vmem_shared>>
        tpu.wait_indirect_dma semaphore(%run_scoped3A : memref<!tpu.dma_semaphore, #tpu.memory_space<semaphore_mem>>) src(%arg7 : memref<128x128xf32, #tpu.memory_space<vmem>>) dst(%dma_wait3A_22 : memref<10112x128xf32, #tpu.memory_space<vmem_shared>>)
        tpu.yield
      }) : () -> ()
    }
    %scan3A_6 = arith.constant 80 : i32
    %barrier3A_7 = arith.constant 0 : index
    tpu.barrier barrier_id(%barrier3A_7)
    "tpu.region"() ({
      %run_scoped3A = tpu.sem_alloc : memref<!tpu.dma_semaphore, #tpu.memory_space<semaphore_mem>>
      %dma_start3A = arith.constant 0 : i32
      %dma_start3A_8 = tpu.memref_slice %arg5[%arg0, %mul3A_2, %dma_start3A] : memref<2x10112x128xf32, #tpu.memory_space<hbm>> -> memref<1x632x128xf32, #tpu.memory_space<hbm>>
      %dma_start3A_9 = tpu.memref_squeeze %dma_start3A_8 : memref<1x632x128xf32, #tpu.memory_space<hbm>> -> memref<632x128xf32, #tpu.memory_space<hbm>>
      %dma_start3A_10 = arith.constant 0 : i32
      %dma_start3A_11 = tpu.memref_slice %arg8[%mul3A_2, %dma_start3A_10] : memref<10112x128xf32, #tpu.memory_space<vmem_shared>> -> memref<632x128xf32, #tpu.memory_space<vmem_shared>>
      tpu.enqueue_dma source(%dma_start3A_11 : memref<632x128xf32, #tpu.memory_space<vmem_shared>>) target(%dma_start3A_9 : memref<632x128xf32, #tpu.memory_space<hbm>>) target_semaphore(%run_scoped3A : memref<!tpu.dma_semaphore, #tpu.memory_space<semaphore_mem>>)
      %dma_wait3A = arith.constant 0 : i32
      %dma_wait3A_12 = tpu.memref_slice %arg5[%arg0, %mul3A_2, %dma_wait3A] : memref<2x10112x128xf32, #tpu.memory_space<hbm>> -> memref<1x632x128xf32, #tpu.memory_space<hbm>>
      %dma_wait3A_13 = tpu.memref_squeeze %dma_wait3A_12 : memref<1x632x128xf32, #tpu.memory_space<hbm>> -> memref<632x128xf32, #tpu.memory_space<hbm>>
      %dma_wait3A_14 = arith.constant 0 : i32
      %dma_wait3A_15 = tpu.memref_slice %arg8[%mul3A_2, %dma_wait3A_14] : memref<10112x128xf32, #tpu.memory_space<vmem_shared>> -> memref<632x128xf32, #tpu.memory_space<vmem_shared>>
      tpu.wait_dma2 semaphore(%run_scoped3A : memref<!tpu.dma_semaphore, #tpu.memory_space<semaphore_mem>>) src(%dma_wait3A_15 : memref<632x128xf32, #tpu.memory_space<vmem_shared>>) dst(%dma_wait3A_13 : memref<632x128xf32, #tpu.memory_space<hbm>>)
      tpu.yield
    }) : () -> ()
    return
  }
}

module attributes {stable_mosaic.version = 14 : i64} {
  func.func @_tc1_body(%arg0: memref<10112x128xf32, #tpu.memory_space<vmem>>, %arg1: memref<128x128xf32, #tpu.memory_space<vmem>>, %arg2: memref<2x10112x128xf32, #tpu.memory_space<vmem>>, %arg3: memref<10112x128xf32, #tpu.memory_space<vmem>>, %arg4: memref<10112x1xf32, #tpu.memory_space<vmem>>) attributes {dimension_semantics = [], scalar_prefetch = 0 : i64, scratch_operands = 0 : i64, tpu.core_type = #tpu.core_type<tc>} {
    %get3A = arith.constant 0 : index
    %get3A_0 = arith.constant 0 : index
    %get3A_1 = arith.constant 0 : index
    %get3A_2 = vector.load %arg2[%get3A, %get3A_0, %get3A_1] : memref<2x10112x128xf32, #tpu.memory_space<vmem>>, vector<2x10112x128xf32>
    %slice3A = vector.extract_strided_slice %get3A_2 {offsets = [0, 0, 0], sizes = [1, 10112, 1], strides = [1, 1, 1]} : vector<2x10112x128xf32> to vector<1x10112x1xf32>
    %squeeze3A = vector.shape_cast %slice3A : vector<1x10112x1xf32> to vector<10112x1xf32>
    %slice3A_3 = vector.extract_strided_slice %get3A_2 {offsets = [1, 0, 0], sizes = [1, 10112, 1], strides = [1, 1, 1]} : vector<2x10112x128xf32> to vector<1x10112x1xf32>
    %squeeze3A_4 = vector.shape_cast %slice3A_3 : vector<1x10112x1xf32> to vector<10112x1xf32>
    %add3A = arith.addf %squeeze3A, %squeeze3A_4 : vector<10112x1xf32>
    %add3A_5 = arith.constant 1.000000e+00 : f32
    %add3A_6 = vector.broadcast %add3A_5 : f32 to vector<10112x1xf32>
    %add3A_7 = arith.addf %add3A, %add3A_6 : vector<10112x1xf32>
    %iota3A = tpu.iota {dimensions = array<i32: 0>} : vector<10112x1xi32>
    %lt3A = arith.constant 10000 : i32
    %lt3A_8 = vector.broadcast %lt3A : i32 to vector<10112x1xi32>
    %lt3A_9 = arith.cmpi slt, %iota3A, %lt3A_8 : vector<10112x1xi32>
    %rsqrt3A = math.rsqrt %add3A_7 : vector<10112x1xf32>
    %jit3A = arith.constant 0.000000e+00 : f32
    %broadcast_in_dim3A = vector.broadcast %jit3A : f32 to vector<10112x1xf32>
    %select_n3A = arith.select %lt3A_9, %rsqrt3A, %broadcast_in_dim3A : vector<10112x1xi1>, vector<10112x1xf32>
    %get3A_10 = arith.constant 0 : index
    %get3A_11 = arith.constant 0 : index
    %get3A_12 = vector.load %arg0[%get3A_10, %get3A_11] : memref<10112x128xf32, #tpu.memory_space<vmem>>, vector<10112x128xf32>
    %get3A_13 = arith.constant 0 : index
    %get3A_14 = arith.constant 0 : index
    %get3A_15 = vector.load %arg1[%get3A_13, %get3A_14] : memref<128x128xf32, #tpu.memory_space<vmem>>, vector<128x128xf32>
    %dot_general3A = arith.constant dense<0.000000e+00> : vector<10112x128xf32>
    %dot_general3A_16 = tpu.matmul %get3A_12, %get3A_15, %dot_general3A {dimension_numbers = #tpu.dot_dimension_numbers<[1], [0], [0], [1], [0, 0, 1, 1], [], []>, transpose_lhs_hint = false} : vector<10112x128xf32>, vector<128x128xf32>, vector<10112x128xf32> -> vector<10112x128xf32>
    %mul3A = vector.broadcast %select_n3A : vector<10112x1xf32> to vector<10112x128xf32>
    %mul3A_17 = arith.mulf %dot_general3A_16, %mul3A : vector<10112x128xf32>
    %swap3A = arith.constant 0 : index
    %swap3A_18 = arith.constant 0 : index
    %swap3A_19 = vector.load %arg3[%swap3A, %swap3A_18] : memref<10112x128xf32, #tpu.memory_space<vmem>>, vector<10112x128xf32>
    tpu.vector_store %arg3[%swap3A, %swap3A_18], %mul3A_17 {strides = array<i32>} : memref<10112x128xf32, #tpu.memory_space<vmem>>, vector<10112x128xf32>,
    %swap3A_20 = arith.constant 0 : index
    %swap3A_21 = arith.constant 0 : index
    %swap3A_22 = vector.load %arg4[%swap3A_20, %swap3A_21] : memref<10112x1xf32, #tpu.memory_space<vmem>>, vector<10112x1xf32>
    tpu.vector_store %arg4[%swap3A_20, %swap3A_21], %select_n3A {strides = array<i32>} : memref<10112x1xf32, #tpu.memory_space<vmem>>, vector<10112x1xf32>,
    return
  }
}

module attributes {stable_mosaic.version = 14 : i64} {
  func.func @_tc2_body(%arg0: memref<2x10112x128xf32, #tpu.memory_space<vmem>>, %arg1: memref<10112x128xf32, #tpu.memory_space<vmem>>, %arg2: memref<10112x1xf32, #tpu.memory_space<vmem>>, %arg3: memref<1x128xf32, #tpu.memory_space<vmem>>, %arg4: memref<128x128xf32, #tpu.memory_space<vmem>>, %arg5: memref<10112x128xf32, #tpu.memory_space<vmem>>) attributes {dimension_semantics = [], scalar_prefetch = 0 : i64, scratch_operands = 0 : i64, tpu.core_type = #tpu.core_type<tc>} {
    %get3A = arith.constant 0 : index
    %get3A_0 = arith.constant 0 : index
    %get3A_1 = arith.constant 0 : index
    %get3A_2 = vector.load %arg0[%get3A, %get3A_0, %get3A_1] : memref<2x10112x128xf32, #tpu.memory_space<vmem>>, vector<2x10112x128xf32>
    %slice3A = vector.extract_strided_slice %get3A_2 {offsets = [0, 0, 0], sizes = [1, 10112, 128], strides = [1, 1, 1]} : vector<2x10112x128xf32> to vector<1x10112x128xf32>
    %squeeze3A = vector.shape_cast %slice3A : vector<1x10112x128xf32> to vector<10112x128xf32>
    %slice3A_3 = vector.extract_strided_slice %get3A_2 {offsets = [1, 0, 0], sizes = [1, 10112, 128], strides = [1, 1, 1]} : vector<2x10112x128xf32> to vector<1x10112x128xf32>
    %squeeze3A_4 = vector.shape_cast %slice3A_3 : vector<1x10112x128xf32> to vector<10112x128xf32>
    %add3A = arith.addf %squeeze3A, %squeeze3A_4 : vector<10112x128xf32>
    %get3A_5 = arith.constant 0 : index
    %get3A_6 = arith.constant 0 : index
    %get3A_7 = vector.load %arg1[%get3A_5, %get3A_6] : memref<10112x128xf32, #tpu.memory_space<vmem>>, vector<10112x128xf32>
    %add3A_8 = arith.addf %add3A, %get3A_7 : vector<10112x128xf32>
    %get3A_9 = arith.constant 0 : index
    %get3A_10 = arith.constant 0 : index
    %get3A_11 = vector.load %arg2[%get3A_9, %get3A_10] : memref<10112x1xf32, #tpu.memory_space<vmem>>, vector<10112x1xf32>
    %mul3A = vector.broadcast %get3A_11 : vector<10112x1xf32> to vector<10112x128xf32>
    %mul3A_12 = arith.mulf %add3A_8, %mul3A : vector<10112x128xf32>
    %get3A_13 = arith.constant 0 : index
    %get3A_14 = arith.constant 0 : index
    %get3A_15 = vector.load %arg3[%get3A_13, %get3A_14] : memref<1x128xf32, #tpu.memory_space<vmem>>, vector<1x128xf32>
    %add3A_16 = vector.broadcast %get3A_15 : vector<1x128xf32> to vector<10112x128xf32>
    %add3A_17 = arith.addf %mul3A_12, %add3A_16 : vector<10112x128xf32>
    %max3A = arith.constant 0.000000e+00 : f32
    %max3A_18 = vector.broadcast %max3A : f32 to vector<10112x128xf32>
    %max3A_19 = arith.maximumf %add3A_17, %max3A_18 : vector<10112x128xf32>
    %get3A_20 = arith.constant 0 : index
    %get3A_21 = arith.constant 0 : index
    %get3A_22 = vector.load %arg4[%get3A_20, %get3A_21] : memref<128x128xf32, #tpu.memory_space<vmem>>, vector<128x128xf32>
    %dot_general3A = arith.constant dense<0.000000e+00> : vector<10112x128xf32>
    %dot_general3A_23 = tpu.matmul %max3A_19, %get3A_22, %dot_general3A {dimension_numbers = #tpu.dot_dimension_numbers<[1], [0], [0], [1], [0, 0, 1, 1], [], []>, transpose_lhs_hint = false} : vector<10112x128xf32>, vector<128x128xf32>, vector<10112x128xf32> -> vector<10112x128xf32>
    %mul3A_24 = vector.broadcast %get3A_11 : vector<10112x1xf32> to vector<10112x128xf32>
    %mul3A_25 = arith.mulf %dot_general3A_23, %mul3A_24 : vector<10112x128xf32>
    %swap3A = arith.constant 0 : index
    %swap3A_26 = arith.constant 0 : index
    %swap3A_27 = vector.load %arg5[%swap3A, %swap3A_26] : memref<10112x128xf32, #tpu.memory_space<vmem>>, vector<10112x128xf32>
    tpu.vector_store %arg5[%swap3A, %swap3A_26], %mul3A_25 {strides = array<i32>} : memref<10112x128xf32, #tpu.memory_space<vmem>>, vector<10112x128xf32>,
    return
  }
}

module attributes {stable_mosaic.version = 14 : i64} {
  func.func @_tc3_body(%arg0: memref<2x10112x128xf32, #tpu.memory_space<vmem>>, %arg1: memref<10112x128xf32, #tpu.memory_space<vmem>>, %arg2: memref<10112x1xf32, #tpu.memory_space<vmem>>, %arg3: memref<1x128xf32, #tpu.memory_space<vmem>>, %arg4: memref<10112x128xf32, #tpu.memory_space<vmem>>) attributes {dimension_semantics = [], scalar_prefetch = 0 : i64, scratch_operands = 0 : i64, tpu.core_type = #tpu.core_type<tc>} {
    %get3A = arith.constant 0 : index
    %get3A_0 = arith.constant 0 : index
    %get3A_1 = arith.constant 0 : index
    %get3A_2 = vector.load %arg0[%get3A, %get3A_0, %get3A_1] : memref<2x10112x128xf32, #tpu.memory_space<vmem>>, vector<2x10112x128xf32>
    %slice3A = vector.extract_strided_slice %get3A_2 {offsets = [0, 0, 0], sizes = [1, 10112, 128], strides = [1, 1, 1]} : vector<2x10112x128xf32> to vector<1x10112x128xf32>
    %squeeze3A = vector.shape_cast %slice3A : vector<1x10112x128xf32> to vector<10112x128xf32>
    %slice3A_3 = vector.extract_strided_slice %get3A_2 {offsets = [1, 0, 0], sizes = [1, 10112, 128], strides = [1, 1, 1]} : vector<2x10112x128xf32> to vector<1x10112x128xf32>
    %squeeze3A_4 = vector.shape_cast %slice3A_3 : vector<1x10112x128xf32> to vector<10112x128xf32>
    %add3A = arith.addf %squeeze3A, %squeeze3A_4 : vector<10112x128xf32>
    %get3A_5 = arith.constant 0 : index
    %get3A_6 = arith.constant 0 : index
    %get3A_7 = vector.load %arg1[%get3A_5, %get3A_6] : memref<10112x128xf32, #tpu.memory_space<vmem>>, vector<10112x128xf32>
    %add3A_8 = arith.addf %add3A, %get3A_7 : vector<10112x128xf32>
    %get3A_9 = arith.constant 0 : index
    %get3A_10 = arith.constant 0 : index
    %get3A_11 = vector.load %arg2[%get3A_9, %get3A_10] : memref<10112x1xf32, #tpu.memory_space<vmem>>, vector<10112x1xf32>
    %mul3A = vector.broadcast %get3A_11 : vector<10112x1xf32> to vector<10112x128xf32>
    %mul3A_12 = arith.mulf %add3A_8, %mul3A : vector<10112x128xf32>
    %get3A_13 = arith.constant 0 : index
    %get3A_14 = arith.constant 0 : index
    %get3A_15 = vector.load %arg3[%get3A_13, %get3A_14] : memref<1x128xf32, #tpu.memory_space<vmem>>, vector<1x128xf32>
    %add3A_16 = vector.broadcast %get3A_15 : vector<1x128xf32> to vector<10112x128xf32>
    %add3A_17 = arith.addf %mul3A_12, %add3A_16 : vector<10112x128xf32>
    %swap3A = arith.constant 0 : index
    %swap3A_18 = arith.constant 0 : index
    %swap3A_19 = vector.load %arg4[%swap3A, %swap3A_18] : memref<10112x128xf32, #tpu.memory_space<vmem>>, vector<10112x128xf32>
    tpu.vector_store %arg4[%swap3A, %swap3A_18], %add3A_17 {strides = array<i32>} : memref<10112x128xf32, #tpu.memory_space<vmem>>, vector<10112x128xf32>,
    return
  }
}

</mosaic_0001>

<sc_bundles>
// kernel: kernel.11.cloned.1.call-start
scs
__scs_entry_jumppad:
0x0: {  	(pc) =	sbr.rel $0x88, $3  }
0x1: {  	(tag) =	ssettag $0x0;
	lr =	simm.s32 $0x1  }
0x2: {  	[smem:$0x3F9B] =	sst lr;
	_ =	strace $0xD0000000  }
0x3: {  	_ = 	snop  }
0x4: {  	_ = 	snop  }
0x5: {  	_ = 	snop  }
0x6: {  	_ = 	snop  }
0x7: {  	_ = 	snop  }
__scs_overlays_trampoline_lowered:
0x8: {  	[smem:$0x3FAA] =	sst s0  }
0x9: {  	[smem:$0x3FAB] =	sst s1  }
0xa: {  	[smem:$0x3FAC] =	sst s2  }
0xb: {  	[smem:$0x3FAD] =	sst s3  }
0xc: {  	[smem:$0x3FAE] =	sst s4  }
0xd: {  	[smem:$0x3FAF] =	sst s5  }
0xe: {  	[smem:$0x3FB0] =	sst s6  }
0xf: {  	[smem:$0x3FB1] =	sst s7  }
0x10: {  	[smem:$0x3FB2] =	sst s8  }
0x11: {  	[smem:$0x3FB3] =	sst s9;
	s0 =	simm.s32 @!p0 $0x0  }
0x12: {  	s1 =	sld [smem:$0x3F99];
	s0 =	simm.s32 @p0 $0x1  }
0x13: {  	[smem:$0x3FB4] =	sst s0;
	s0 =	simm.s32 @!p1 $0x0  }
0x14: {  	s2 =	sld [smem:$0x3F98];
	s0 =	simm.s32 @p1 $0x1  }
0x15: {  	[smem:$0x3FB5] =	sst s0;
	s0 =	simm.s32 @!p2 $0x0  }
0x16: {  	s3 =	sld [smem:$0x3FDB];
	s0 =	simm.s32 @p2 $0x1  }
0x17: {  	s4 =	simm.s32 $0x1BF5;
	[smem:$0x3FB7] =	sst s0  }
0x18: {  	s0 =	sld [smem:$0x3F9A];
	_ =	swait.ge [sflag:s4], $0x0  }
0x19: {  	s7 =	sld [smem:$0x3F9B]  }
0x1a: {  	s8 =	sadd.s32 $0xFFFFE003, lr  }
0x1b: {  	s9 =	sadd.s32 $0xFFFFFEF7, lr;
	s5 =	simm.s32 $0xFFFFFFFF;
	p2 =	slt.u32 s8, $0xFFFFF086  }
0x1c: {  	p1 =	slt.u32 s9, $0xF7A;
	s5 =	simm.s32 @!p2 $0x0  }
0x1d: {  	s5 =	simm.s32 @p1 $0x1;
	p0 =	seq.s32 s7, s2  }
0x1e: {  	s7 =	smul.u32 @!p0 $0xF7A, s2;
	p2 =	seq.s32 @!p0 s5, $0x0  }
0x1f: {  	s9 =	smul.u32 $0xF7A, s1;
	s8 =	simm.s32 @!p0 $0x1BF5;
	p2 =	por !p2, p0  }
0x20: {  	[sflag:s8] =	ssyncset.s32 @!p0 $0xFFFFF086;
	s6 =	sadd.s32 @!p0 s3, s7;
	s7 =	simm.s32 @!p0 $0x108  }
0x21: {  	s3 =	sadd.s32 s3, s9;
	s6 =	sadd.s32 @!p0 $0x88, s6;
	s7 =	simm.s32 @p2 $0x1082  }
0x22: {  	[simem:s7], [sflag:s8] =	dma.local @!p0 [hbm:s6], $0xF7A  }
0x23: {  	s9 =	sor.u32 $0xD0000000, s2;
	s6 =	simm.s32 $0x108;
	_ =	swait.ge @!p0 [sflag:s8], $0x0  }
0x24: {  	s3 =	sadd.s32 $0x88, s3;
	s6 =	simm.s32 @!p1 $0x1082;
	[sflag:s4] =	ssyncset.s32 $0xFFFFF086  }
0x25: {  	[simem:s6], [sflag:s4] =	dma.local [hbm:s3], $0xF7A  }
0x26: {  	[smem:$0x3F9B] =	sst s1;
	(tag) =	ssettag s2;
	_ =	strace s9  }
0x27: {  	s1 =	sld [smem:$0x3FAB]  }
0x28: {  	s2 =	sld [smem:$0x3FAC]  }
0x29: {  	s4 =	sld [smem:$0x3FAE]  }
0x2a: {  	p0 =	seq.s32 s5, $0x0;
	s5 =	sld [smem:$0x3FAF]  }
0x2b: {  	s6 =	sld [smem:$0x3FB0]  }
0x2c: {  	s7 =	sld [smem:$0x3FB1]  }
0x2d: {  	s3 =	simm.s32 $0x108;
	s8 =	sld [smem:$0x3FB2]  }
0x2e: {  	s3 =	simm.s32 @!p0 $0x1082;
	s9 =	sld [smem:$0x3FB3]  }
0x2f: {  	lr =	sadd.s32 s0, s3;
	s0 =	sld [smem:$0x3FAA]  }
0x30: {  	s3 =	sld [smem:$0x3FAD]  }
0x31: {  	[smem:$0x3FB6] =	sst s10  }
0x32: {  	s10 =	sld [smem:$0x3FB4];
	_ =	sdelay $0x3  }
0x33: {  	p0 =	seq.s32 s10, $0x1;
	s10 =	sld [smem:$0x3FB6];
	_ =	sdelay $0x3  }
0x34: {  	[smem:$0x3FB6] =	sst s10  }
0x35: {  	s10 =	sld [smem:$0x3FB5];
	_ =	sdelay $0x3  }
0x36: {  	p1 =	seq.s32 s10, $0x1;
	s10 =	sld [smem:$0x3FB6];
	_ =	sdelay $0x3  }
0x37: {  	[smem:$0x3FB6] =	sst s10  }
0x38: {  	s10 =	sld [smem:$0x3FB7]  }
0x39: {  	_ = 	snop;
	(pc) =	sbr.ind lr, $3  }
0x3a: {  	_ = 	snop  }
0x3b: {  	_ = 	snop  }
0x3c: {  	p2 =	seq.s32 s10, $0x1;
	s10 =	sld [smem:$0x3FB6]  }
0x3d: {  	_ =	shalt  }
0x3e: {  	_ =	shalt  }
0x3f: {  	_ =	shalt  }
0x40: {  	_ =	shalt  }
0x41: {  	_ =	shalt  }
0x42: {  	_ =	shalt  }
0x43: {  	_ =	shalt  }
0x44: {  	_ =	shalt  }
0x45: {  	_ =	shalt  }
0x46: {  	_ =	shalt  }
0x47: {  	_ =	shalt  }
0x48: {  	_ =	shalt  }
0x49: {  	_ =	shalt  }
0x4a: {  	_ =	shalt  }
0x4b: {  	_ =	shalt  }
0x4c: {  	_ =	shalt  }
0x4d: {  	_ =	shalt  }
0x4e: {  	_ =	shalt  }
0x4f: {  	_ =	shalt  }
0x50: {  	_ =	shalt  }
0x51: {  	_ =	shalt  }
0x52: {  	_ =	shalt  }
0x53: {  	_ =	shalt  }
0x54: {  	_ =	shalt  }
0x55: {  	_ =	shalt  }
0x56: {  	_ =	shalt  }
0x57: {  	_ =	shalt  }
0x58: {  	_ =	shalt  }
0x59: {  	_ =	shalt  }
0x5a: {  	_ =	shalt  }
0x5b: {  	_ =	shalt  }
0x5c: {  	_ =	shalt  }
0x5d: {  	_ =	shalt  }
0x5e: {  	_ =	shalt  }
0x5f: {  	_ =	shalt  }
0x60: {  	_ =	shalt  }
0x61: {  	_ =	shalt  }
0x62: {  	_ =	shalt  }
0x63: {  	_ =	shalt  }
0x64: {  	_ =	shalt  }
0x65: {  	_ =	shalt  }
0x66: {  	_ =	shalt  }
0x67: {  	_ =	shalt  }
0x68: {  	_ =	shalt  }
0x69: {  	_ =	shalt  }
0x6a: {  	_ =	shalt  }
0x6b: {  	_ =	shalt  }
0x6c: {  	_ =	shalt  }
0x6d: {  	_ =	shalt  }
0x6e: {  	_ =	shalt  }
0x6f: {  	_ =	shalt  }
0x70: {  	_ =	shalt  }
0x71: {  	_ =	shalt  }
0x72: {  	_ =	shalt  }
0x73: {  	_ =	shalt  }
0x74: {  	_ =	shalt  }
0x75: {  	_ =	shalt  }
0x76: {  	_ =	shalt  }
0x77: {  	_ =	shalt  }
0x78: {  	_ =	shalt  }
0x79: {  	_ =	shalt  }
0x7a: {  	_ =	shalt  }
0x7b: {  	_ =	shalt  }
0x7c: {  	_ =	shalt  }
0x7d: {  	_ =	shalt  }
0x7e: {  	_ =	shalt  }
0x7f: {  	_ =	shalt  }
0x80: {  	_ =	shalt  }
0x81: {  	_ =	shalt  }
0x82: {  	_ =	shalt  }
0x83: {  	_ =	shalt  }
0x84: {  	_ =	shalt  }
0x85: {  	_ =	shalt  }
0x86: {  	_ =	shalt  }
0x87: {  	_ =	shalt  }
.Lfunc_end0:
.L_simem_size_0:
called_computation.1_lowered:
.L_overlay_start_0:
0x88: {  	s2 =	sld [smem:$0x3FD9]  }
0x89: {  	s3 =	sld [smem:$0x3FFE];
	_ =	sdelay $0x1  }
0x8a: {  	s1 =	srdreg.scid  }
0x8b: {  	s0 =	sand.u32 $0x1, s1  }
0x8c: {  	s17 =	sshll.u32 s0, $0xA;
	s2 =	sadd.s32 s3, s2  }
0x8d: {  	s2 =	sadd.s32 s2, s17  }
0x8e: {  	[smem:$0x3FC2] =	sst s2  }
0x8f: {  	_ = 	snop  }
0x90: {  	s2 =	sld [smem:$0x3FD0];
	(tm) =	ssettm $0x1  }
0x91: {  	s18 =	sld [smem:$0x3FFB];
	_ =	sdelay $0x3  }
0x92: {  	_ =	strace s18  }
0x93: {  	s3 =	sld [smem:$0x3FFC];
	_ =	sdelay $0x3  }
0x94: {  	_ =	strace s3  }
0x95: {  	s3 =	sld [smem:$0x3FFD];
	_ =	sdelay $0x3  }
0x96: {  	_ =	strace s3  }
0x97: {  	_ =	strace $0x8FFFFFFF  }
0x98: {  	s19 =	sld [smem:$0x3FDB];
	_ =	sdelay $0x1  }
0x99: {  	s4 =	simm.s32 $_scs_section_size  }
0x9a: {  	s5 =	simm.s32 $_size__tile_overlayer_lowered;
	s6 =	simm.s32 $_tile_overlayer_lowered  }
0x9b: {  	s22 =	simm.s32 $0x1BFF;
	s21 =	sshll.u32 s6, $0x1;
	s3 =	sadd.s32 s4, s19  }
0x9c: {  	s7 =	simm.s32 $0x0;
	s20 =	sshll.u32 s5, $0x1;
	s5 =	sadd.s32 s21, s3  }
0x9d: {  	[timem:s7], [sflag:s22] =	dma.local [hbm:s5], s20  }
0x9e: {  	_ =	swait.ge [sflag:s22], s20  }
0x9f: {  	s4 =	ssub.s32 $0x0, s20;
	[sflag:s22] =	ssyncset.done $0x0  }
0xa0: {  	[sflag:s22] =	ssyncadd.s32 s4;
	_ =	sdelay $0x1  }
0xa1: {  	s23 =	simm.s32 $0x1B8B  }
0xa2: {  	_ =	swait.ge [sflag:s23], $0x1  }
0xa3: {  	[sflag:s23] =	ssyncset.done $0x0  }
0xa4: {  	s25 =	simm.s32 $0x1B8E;
	s24 =	sld [smem:$0x3FFE];
	[sflag:s23] =	ssyncadd.s32 $0xFFFFFFFF  }
0xa5: {  	s26 =	simm.s32 $execute0_lowered;
	[smem:$0x3FD2] =	sst s25  }
0xa6: {  	s5 =	sshll.u32 s26, $0x1;
	_ =	strace $0x80000049;
	[dreg:$0x1] =	wrdreg $0xFFFFFFFF  }
0xa7: {  	s28 =	simm.s32 $_size_execute0_lowered;
	s3 =	sadd.s32 s3, s5;
	[dreg:$0x0] =	wrdreg $0x0  }
0xa8: {  	s5 =	sshll.u32 s28, $0x1;
	[dreg:$0x2] =	wrdreg s3  }
0xa9: {  	[dreg:$0x3] =	wrdreg s5  }
0xaa: {  	[dreg:$0x4] =	wrdreg $0xC0  }
0xab: {  	_ =	task [dreg:s7], $0x5FFFF  }
0xac: {  	[dreg:$0x1] =	wrdreg $0xFFFFFFFF  }
0xad: {  	[dreg:$0x0] =	wrdreg $0x60  }
0xae: {  	[dreg:$0x2] =	wrdreg s24  }
0xaf: {  	[dreg:$0x3] =	wrdreg s2  }
0xb0: {  	[dreg:$0x4] =	wrdreg $0xBC000  }
0xb1: {  	[dreg:$0x5] =	wrdreg $0x9  }
0xb2: {  	_ =	task.clear_ibuf [dreg:s7], $0x6FFFF;
	_ =	strace $0x90000049  }
0xb3: {  	s29 =	simm.s32 $0x9;
	_ =	strace $0x8000004B  }
0xb4: {  	_ =	swait.ge [sflag:s29], $0x1  }
0xb5: {  	[sflag:s29] =	ssyncadd.s32 $0xFFFFFFFF  }
0xb6: {  	_ =	strace $0x9000004B  }
0xb7: {  	_ =	sfence  }
0xb8: {  	s30 =	sld [smem:$0x0];
	_ =	sdelay $0x2  }
0xb9: {  	s31 =	sshll.u32 s1, $0xD;
	s1 =	sshrl.u32 s1, $0x2  }
0xba: {  	s3 =	sand.u32 $0x4000, s31;
	s1 =	sadd.s32 s1, s30  }
0xbb: {  	s0 =	sor.u32 s3, s0;
	s1 =	sshll.u32 s1, $0x11  }
0xbc: {  	s0 =	sor.u32 s1, s0  }
0xbd: {  	s0 =	sadd.s32 $0x8F2B, s0  }
0xbe: {  	[sflag:s0] =	ssyncadd.remote.s32 $0x1  }
0xbf: {  	_ =	sfence.sel $0xFFFF  }
0xc0: {  	[dreg:$0x0] =	wrdreg $0xFFFFFFFF;
	(pc) =	sbr.abs _section_cstart, $3  }
0xc1: {  	[dreg:$0x1] =	wrdreg $0xFFFFFFFF  }
0xc2: {  	_ =	task.clear_ibuf [dreg:s7], $0x2FFFF;
	_ =	strace $0x9FFFFFFF  }
0xc3: {  	(tm) =	ssettm $0x7FFFFFFF  }
tec
execute0_lowered:
.L_overlay_start_1:
0x0: {  	(tag) =	ssettag $0x1  }
0x1: {  	s5 =	rddreg [dreg:$0x0]  }
0x2: {  	s6 =	rddreg [dreg:$0x1];
	s1 =	srdreg.scid  }
0x3: {  	s0 =	stileid.u32;
	s2 =	rddreg [dreg:$0x2];
	s3 =	simm.s32 $0x0  }
0x4: {  	s16 =	simm.s32 $0x2800;
	s17 =	simm.s32 $0x1;
	s18 =	simm.s32 $0x7C00  }
0x5: {  	s19 =	simm.s32 $0x2;
	s20 =	simm.s32 $0x2780;
	s21 =	simm.s32 $0x3B00  }
0x6: {  	s22 =	simm.s32 $0x3B80;
	s23 =	simm.s32 $0x0;
	s12 =	sand.u32 $0x1, s1  }
0x7: {  	s4 =	sshll.u32 s0, $0x1;
	s1 =	rddreg [dreg:$0x3];
	s8 =	smul.u32 $0x13C00, s0  }
0x8: {  	[smem:$0x7FF] =	sst s3;
	s13 =	smul.u32 $0x4F000, s0;
	s31 =	sshll.u32 s0, $0x6  }
0x9: {  	s4 =	sor.u32 s12, s4;
	_ =	strace $0x8000004A;
	s9 =	smul.u32 $0x13C000, s12  }
0xa: {  	s30 =	ssub.s32 $0x2, s12;
	p0 =	sne.s32 s12, $0x0;
	s7 =	smul.u32 $0x2800, s4  }
0xb: {  	s4 =	sadd.s32 $0x29600, s5;
	s11 =	sshrl.u32 s8, $0x3;
	s14 =	sshrl.u32 s30, $0x1  }
0xc: {  	s13 =	sshrl.u32 s13, $0x2;
	s11 =	sadd.s32 s11, s5;
	s8 =	sadd.s32 s8, s9  }
0xd: {  	s14 =	ssub.s32 s30, s14;
	s13 =	sadd.s32 s13, s2;
	s7 =	sshrl.u32 s7, $0x3  }
.Ltmp0:
0xe: {  	s8 =	sshrl.u32 s8, $0x3;
	s12 =	sshrl.u32 s13, $0x3;
	(pc) =	sbr.rel .LBB2_1-.Ltmp0, $4  }
0xf: {  	s13 =	simm.s32 $0x3;
	s10 =	sadd.s32 s7, s5;
	s15 =	sadd.s32 s8, s5  }
0x10: {  	s5 =	sadd.s32 $0x1E00, s11;
	s6 =	sadd.s32 s6, s7;
	s7 =	sor.u32 $0x1C03, s31  }
0x11: {  	s11 =	smax.u32 s14, $0x1;
	s14 =	simm.s32 $0x80;
	s8 =	sadd.s32 $0x78E00, s10  }
0x12: {  	s9 =	sadd.s32 $0x280, s6;
	s10 =	sadd.s32 $0x82E00, s15;
	s15 =	simm.s32 $0x3C00  }
.LBB2_6:
0x13: {  	[sflag:s13] =	ssyncadd.s32 $0xFFFFC000  }
0x14: {  	_ =	swait.ge [sflag:s17], $0x4000  }
0x15: {  	[sflag:s17] =	ssyncset.done $0x0  }
0x16: {  	[sflag:s17] =	ssyncadd.s32 $0xFFFFC000  }
0x17: {  	[tilespmem:s18], [sflag:$0x2] =	stream.indirect.gather [hbm4b:s4+s14], $0x80, s20, s14, $0xb8;
	[tilespmem:$0x1F800] =	vst v63  }
0x18: {  	_ = 	snop  }
0x19: {  	[spmem:s2] =	stream.indirect.scatter.add.f32 [tilespmem:s15], [sflag:$0x3], $0x80, s21, s14, $0xb8;
	[tilespmem:$0x1F800] =	vst v63  }
0x1a: {  	_ =	swait.ge [sflag:s13], $0x4000  }
0x1b: {  	[sflag:s13] =	ssyncset.done $0x0  }
0x1c: {  	[sflag:s13] =	ssyncadd.s32 $0xFFFFC000  }
0x1d: {  	_ =	swait.ge [sflag:s19], $0x4000  }
0x1e: {  	[sflag:s19] =	ssyncset.done $0x0  }
0x1f: {  	[sflag:s19] =	ssyncadd.s32 $0xFFFFC000  }
0x20: {  	[spmem:s2] =	stream.indirect.scatter.add.f32 [tilespmem:s18], [sflag:$0x3], $0x80, s22, s14, $0xb8;
	[tilespmem:$0x1F800] =	vst v63  }
0x21: {  	_ =	swait.ge [sflag:s13], $0x4000  }
0x22: {  	[sflag:s13] =	ssyncset.done $0x0  }
0x23: {  	[sflag:s13] =	ssyncadd.s32 $0xFFFFC000  }
.LBB2_7:
0x24: {  	s23 =	sadd.s32 $0x1, s23  }
0x25: {  	p1 =	sne.s32 s23, s11  }
.Ltmp1:
0x26: {  	[bflag:$0x0] =	sbarrier.arrive $0xFFFF;
	(pc) =	sbr.rel @!p1 .LBB2_8-.Ltmp1, $4  }
0x27: {  	[hbm:s10], [sflag:s7] =	dma.local [spmem:s12], $0x2780  }
0x28: {  	_ =	swait.ge [sflag:s13], $0x2780  }
0x29: {  	[sflag:s13] =	ssyncset.done $0x0  }
0x2a: {  	[sflag:s13] =	ssyncadd.s32 $0xFFFFD880  }
.LBB2_1:
0x2b: {  	[spmem:s12], [sflag:s7] =	dma.local [hbm:s5], $0x2780  }
0x2c: {  	_ =	swait.ge [sflag:s13], $0x2780  }
0x2d: {  	[sflag:s13] =	ssyncset.done $0x0  }
0x2e: {  	[sflag:s13] =	ssyncadd.s32 $0xFFFFD880  }
0x2f: {  	[tilespmem:s3], [sflag:$0x3] =	stream.linear.gather [hbm4b:s8+s3], $0x2800, $0x38;
	[tilespmem:$0x1F800] =	vst v63  }
.Ltmp2:
0x30: {  	_ =	swait.ge [sflag:s13], $0x2800;
	(pc) =	sbr.rel @p0 .LBB2_7-.Ltmp2, $3  }
0x31: {  	[sflag:s13] =	ssyncset.done $0x0  }
0x32: {  	[sflag:s13] =	ssyncadd.s32 $0xFFFFD800  }
0x33: {  	[bflag:$0x0] =	sbarrier.arrive $0xFFFF;
	_ =	sdelay $0x1  }
0x34: {  	s24 =	simm.s32 $0x0  }
0x35: {  	[tilespmem:s15], [sflag:$0x1] =	stream.indirect.gather [hbm4b:s4+s14], $0x80, s24, s14, $0xb8;
	[tilespmem:$0x1F800] =	vst v63  }
0x36: {  	_ = 	snop  }
0x37: {  	[tilespmem:s16], [sflag:$0x3] =	stream.linear.gather [hbm4b:s6+s24], $0x1400, $0x38;
	[tilespmem:$0x1F800] =	vst v63  }
0x38: {  	_ =	swait.ge [sflag:s13], $0x1400  }
0x39: {  	[sflag:s13] =	ssyncset.done $0x0  }
0x3a: {  	[sflag:s13] =	ssyncadd.s32 $0xFFFFEC00  }
0x3b: {  	_ =	swait.ge [sflag:s17], $0x4000  }
0x3c: {  	[sflag:s17] =	ssyncset.done $0x0  }
0x3d: {  	s28 =	simm.s32 $0x80;
	[sflag:s17] =	ssyncadd.s32 $0xFFFFC000  }
0x3e: {  	[tilespmem:s18], [sflag:$0x2] =	stream.indirect.gather [hbm4b:s4+s14], $0x80, s28, s14, $0xb8;
	[tilespmem:$0x1F800] =	vst v63  }
0x3f: {  	s29 =	simm.s32 $0x2800  }
0x40: {  	[spmem:s2] =	stream.indirect.scatter.add.f32 [tilespmem:s15], [sflag:$0x3], $0x80, s29, s14, $0xb8;
	[tilespmem:$0x1F800] =	vst v63  }
0x41: {  	_ =	swait.ge [sflag:s13], $0x4000  }
0x42: {  	[sflag:s13] =	ssyncset.done $0x0  }
0x43: {  	[sflag:s13] =	ssyncadd.s32 $0xFFFFC000  }
0x44: {  	_ =	swait.ge [sflag:s19], $0x4000  }
0x45: {  	[sflag:s19] =	ssyncset.done $0x0  }
0x46: {  	s30 =	simm.s32 $0x100;
	[sflag:s19] =	ssyncadd.s32 $0xFFFFC000  }
0x47: {  	[tilespmem:s15], [sflag:$0x1] =	stream.indirect.gather [hbm4b:s4+s14], $0x80, s30, s14, $0xb8;
	[tilespmem:$0x1F800] =	vst v63  }
0x48: {  	s31 =	simm.s32 $0x2880  }
0x49: {  	[spmem:s2] =	stream.indirect.scatter.add.f32 [tilespmem:s18], [sflag:$0x3], $0x80, s31, s14, $0xb8;
	[tilespmem:$0x1F800] =	vst v63  }
0x4a: {  	_ =	swait.ge [sflag:s13], $0x4000  }
0x4b: {  	s24 =	simm.s32 $0x400;
	[sflag:s13] =	ssyncset.done $0x0  }
.LBB2_3:
0x4c: {  	p1 =	sne.s32 s24, $0x4C00  }
0x4d: {  	[sflag:s13] =	ssyncadd.s32 $0xFFFFC000;
	s25 =	smov.u32 s24;
	s24 =	sadd.s32 $0x400, s24  }
0x4e: {  	_ = 	snop  }
0x4f: {  	_ =	swait.ge [sflag:s17], $0x4000  }
0x50: {  	s25 =	sshra.s32 s25, $0x2;
	[sflag:s17] =	ssyncset.done $0x0  }
0x51: {  	s26 =	sadd.s32 $0x80, s25;
	[sflag:s17] =	ssyncadd.s32 $0xFFFFC000  }
0x52: {  	[tilespmem:s18], [sflag:$0x2] =	stream.indirect.gather [hbm4b:s4+s14], $0x80, s26, s14, $0xb8;
	[tilespmem:$0x1F800] =	vst v63  }
0x53: {  	s26 =	sadd.s32 $0x2800, s25  }
0x54: {  	[spmem:s2] =	stream.indirect.scatter.add.f32 [tilespmem:s15], [sflag:$0x3], $0x80, s26, s14, $0xb8;
	[tilespmem:$0x1F800] =	vst v63  }
0x55: {  	_ =	swait.ge [sflag:s13], $0x4000  }
0x56: {  	[sflag:s13] =	ssyncset.done $0x0  }
0x57: {  	[sflag:s13] =	ssyncadd.s32 $0xFFFFC000  }
0x58: {  	_ =	swait.ge [sflag:s19], $0x4000  }
0x59: {  	[sflag:s19] =	ssyncset.done $0x0  }
0x5a: {  	s26 =	sadd.s32 $0x100, s25;
	[sflag:s19] =	ssyncadd.s32 $0xFFFFC000  }
0x5b: {  	[tilespmem:s15], [sflag:$0x1] =	stream.indirect.gather [hbm4b:s4+s14], $0x80, s26, s14, $0xb8;
	[tilespmem:$0x1F800] =	vst v63  }
.Ltmp3:
0x5c: {  	_ = 	snop;
	(pc) =	sbr.rel @p1 .LBB2_3-.Ltmp3, $4  }
0x5d: {  	s25 =	sadd.s32 $0x2880, s25  }
0x5e: {  	[spmem:s2] =	stream.indirect.scatter.add.f32 [tilespmem:s18], [sflag:$0x3], $0x80, s25, s14, $0xb8;
	[tilespmem:$0x1F800] =	vst v63  }
0x5f: {  	_ =	swait.ge [sflag:s13], $0x4000  }
0x60: {  	[sflag:s13] =	ssyncset.done $0x0  }
0x61: {  	[sflag:s13] =	ssyncadd.s32 $0xFFFFC000;
	s24 =	simm.s32 $0x0  }
0x62: {  	[tilespmem:s16], [sflag:$0x3] =	stream.linear.gather [hbm4b:s9+s24], $0x1400, $0x38;
	[tilespmem:$0x1F800] =	vst v63  }
0x63: {  	_ =	swait.ge [sflag:s13], $0x1400  }
0x64: {  	[sflag:s13] =	ssyncset.done $0x0  }
0x65: {  	[sflag:s13] =	ssyncadd.s32 $0xFFFFEC00  }
0x66: {  	_ =	swait.ge [sflag:s17], $0x4000  }
0x67: {  	[sflag:s17] =	ssyncset.done $0x0  }
0x68: {  	s28 =	simm.s32 $0x1480;
	[sflag:s17] =	ssyncadd.s32 $0xFFFFC000  }
0x69: {  	[tilespmem:s18], [sflag:$0x2] =	stream.indirect.gather [hbm4b:s4+s14], $0x80, s28, s14, $0xb8;
	[tilespmem:$0x1F800] =	vst v63  }
0x6a: {  	s29 =	simm.s32 $0x2800  }
0x6b: {  	[spmem:s2] =	stream.indirect.scatter.add.f32 [tilespmem:s15], [sflag:$0x3], $0x80, s29, s14, $0xb8;
	[tilespmem:$0x1F800] =	vst v63  }
0x6c: {  	_ =	swait.ge [sflag:s13], $0x4000  }
0x6d: {  	[sflag:s13] =	ssyncset.done $0x0  }
0x6e: {  	[sflag:s13] =	ssyncadd.s32 $0xFFFFC000  }
0x6f: {  	_ =	swait.ge [sflag:s19], $0x4000  }
0x70: {  	[sflag:s19] =	ssyncset.done $0x0  }
0x71: {  	s30 =	simm.s32 $0x1500;
	[sflag:s19] =	ssyncadd.s32 $0xFFFFC000  }
0x72: {  	[tilespmem:s15], [sflag:$0x1] =	stream.indirect.gather [hbm4b:s4+s14], $0x80, s30, s14, $0xb8;
	[tilespmem:$0x1F800] =	vst v63  }
0x73: {  	s31 =	simm.s32 $0x2880  }
0x74: {  	[spmem:s2] =	stream.indirect.scatter.add.f32 [tilespmem:s18], [sflag:$0x3], $0x80, s31, s14, $0xb8;
	[tilespmem:$0x1F800] =	vst v63  }
0x75: {  	_ =	swait.ge [sflag:s13], $0x4000  }
0x76: {  	s24 =	simm.s32 $0x400;
	[sflag:s13] =	ssyncset.done $0x0  }
.LBB2_5:
0x77: {  	p1 =	sne.s32 s24, $0x4800  }
0x78: {  	[sflag:s13] =	ssyncadd.s32 $0xFFFFC000;
	s25 =	smov.u32 s24;
	s24 =	sadd.s32 $0x400, s24  }
0x79: {  	_ = 	snop  }
0x7a: {  	_ =	swait.ge [sflag:s17], $0x4000  }
0x7b: {  	s25 =	sshra.s32 s25, $0x2;
	[sflag:s17] =	ssyncset.done $0x0  }
0x7c: {  	s26 =	sadd.s32 $0x1480, s25;
	[sflag:s17] =	ssyncadd.s32 $0xFFFFC000  }
0x7d: {  	[tilespmem:s18], [sflag:$0x2] =	stream.indirect.gather [hbm4b:s4+s14], $0x80, s26, s14, $0xb8;
	[tilespmem:$0x1F800] =	vst v63  }
0x7e: {  	s26 =	sadd.s32 $0x2800, s25  }
0x7f: {  	[spmem:s2] =	stream.indirect.scatter.add.f32 [tilespmem:s15], [sflag:$0x3], $0x80, s26, s14, $0xb8;
	[tilespmem:$0x1F800] =	vst v63  }
0x80: {  	_ =	swait.ge [sflag:s13], $0x4000  }
0x81: {  	[sflag:s13] =	ssyncset.done $0x0  }
0x82: {  	[sflag:s13] =	ssyncadd.s32 $0xFFFFC000  }
0x83: {  	_ =	swait.ge [sflag:s19], $0x4000  }
0x84: {  	[sflag:s19] =	ssyncset.done $0x0  }
0x85: {  	s26 =	sadd.s32 $0x1500, s25;
	[sflag:s19] =	ssyncadd.s32 $0xFFFFC000  }
0x86: {  	[tilespmem:s15], [sflag:$0x1] =	stream.indirect.gather [hbm4b:s4+s14], $0x80, s26, s14, $0xb8;
	[tilespmem:$0x1F800] =	vst v63  }
.Ltmp4:
0x87: {  	_ = 	snop;
	(pc) =	sbr.rel @p1 .LBB2_5-.Ltmp4, $4  }
0x88: {  	s25 =	sadd.s32 $0x2880, s25  }
0x89: {  	[spmem:s2] =	stream.indirect.scatter.add.f32 [tilespmem:s18], [sflag:$0x3], $0x80, s25, s14, $0xb8;
	[tilespmem:$0x1F800] =	vst v63  }
0x8a: {  	_ =	swait.ge [sflag:s13], $0x4000  }
0x8b: {  	[sflag:s13] =	ssyncset.done $0x0  }
.Ltmp5:
0x8c: {  	_ = 	snop;
	(pc) =	sbr.rel .LBB2_6-.Ltmp5, $1  }
0x8d: {  	_ =	sdelay $0x3  }
.LBB2_8:
0x8e: {  	_ =	sfence.sel $0x180000  }
0x8f: {  	[bflag:$0x0] =	sbarrier.arrive $0xFFFF  }
0x90: {  	p0 =	sne.s32 s0, $0x0;
	_ =	strace $0x9000004A  }
0x91: {  	s0 =	sadd.s32 @!p0 $0x100000, s1;
	[bflag:$0x2] =	sbarrier.arrive $0xFFFF  }
0x92: {  	[sflag:s0] =	ssyncadd.tile.s32 @!p0 $0x1;
	_ =	shalt  }
.Lfunc_end2:
_tile_overlayer_lowered:
.L_overlay_start_2:
0x93: {  	(tag) =	ssettag $0x2  }
0x94: {  	s0 =	rddreg [dreg:$0x0];
	s2 =	stileid.u32  }
0x95: {  	s1 =	rddreg [dreg:$0x1];
	p0 =	sne.s32 s2, $0x0  }
0x96: {  	s3 =	rddreg [dreg:$0x2];
	[bflag:$0x3] =	sbarrier.arrive $0xFFFF;
	s2 =	simm.s32 @!p0 $0x1C03  }
0x97: {  	[timem:s3], [sflag:s2] =	dma.local @!p0 [hbm:s0], s1  }
0x98: {  	s0 =	simm.s32 @!p0 $0x3  }
0x99: {  	_ =	swait.ge @!p0 [sflag:s0], s1  }
0x9a: {  	s1 =	ssub.s32 @!p0 $0x0, s1;
	[sflag:s0] =	ssyncset.done @!p0 $0x0  }
0x9b: {  	[sflag:s0] =	ssyncadd.s32 @!p0 s1  }
0x9c: {  	[bflag:$0x3] =	sbarrier.arrive $0xFFFF  }
0x9d: {  	_ =	shalt  }

// kernel: kernel.14.cloned.1.call-start
scs
__scs_entry_jumppad:
0x0: {  	(pc) =	sbr.rel $0x88, $3  }
0x1: {  	(tag) =	ssettag $0x0;
	lr =	simm.s32 $0x1  }
0x2: {  	[smem:$0x3F9B] =	sst lr;
	_ =	strace $0xD0000000  }
0x3: {  	_ = 	snop  }
0x4: {  	_ = 	snop  }
0x5: {  	_ = 	snop  }
0x6: {  	_ = 	snop  }
0x7: {  	_ = 	snop  }
__scs_overlays_trampoline_lowered:
0x8: {  	[smem:$0x3FAA] =	sst s0  }
0x9: {  	[smem:$0x3FAB] =	sst s1  }
0xa: {  	[smem:$0x3FAC] =	sst s2  }
0xb: {  	[smem:$0x3FAD] =	sst s3  }
0xc: {  	[smem:$0x3FAE] =	sst s4  }
0xd: {  	[smem:$0x3FAF] =	sst s5  }
0xe: {  	[smem:$0x3FB0] =	sst s6  }
0xf: {  	[smem:$0x3FB1] =	sst s7  }
0x10: {  	[smem:$0x3FB2] =	sst s8  }
0x11: {  	[smem:$0x3FB3] =	sst s9;
	s0 =	simm.s32 @!p0 $0x0  }
0x12: {  	s1 =	sld [smem:$0x3F99];
	s0 =	simm.s32 @p0 $0x1  }
0x13: {  	[smem:$0x3FB4] =	sst s0;
	s0 =	simm.s32 @!p1 $0x0  }
0x14: {  	s2 =	sld [smem:$0x3F98];
	s0 =	simm.s32 @p1 $0x1  }
0x15: {  	[smem:$0x3FB5] =	sst s0;
	s0 =	simm.s32 @!p2 $0x0  }
0x16: {  	s3 =	sld [smem:$0x3FDB];
	s0 =	simm.s32 @p2 $0x1  }
0x17: {  	s4 =	simm.s32 $0x1BF5;
	[smem:$0x3FB7] =	sst s0  }
0x18: {  	s0 =	sld [smem:$0x3F9A];
	_ =	swait.ge [sflag:s4], $0x0  }
0x19: {  	s7 =	sld [smem:$0x3F9B]  }
0x1a: {  	s8 =	sadd.s32 $0xFFFFE003, lr  }
0x1b: {  	s9 =	sadd.s32 $0xFFFFFEF7, lr;
	s5 =	simm.s32 $0xFFFFFFFF;
	p2 =	slt.u32 s8, $0xFFFFF086  }
0x1c: {  	p1 =	slt.u32 s9, $0xF7A;
	s5 =	simm.s32 @!p2 $0x0  }
0x1d: {  	s5 =	simm.s32 @p1 $0x1;
	p0 =	seq.s32 s7, s2  }
0x1e: {  	s7 =	smul.u32 @!p0 $0xF7A, s2;
	p2 =	seq.s32 @!p0 s5, $0x0  }
0x1f: {  	s9 =	smul.u32 $0xF7A, s1;
	s8 =	simm.s32 @!p0 $0x1BF5;
	p2 =	por !p2, p0  }
0x20: {  	[sflag:s8] =	ssyncset.s32 @!p0 $0xFFFFF086;
	s6 =	sadd.s32 @!p0 s3, s7;
	s7 =	simm.s32 @!p0 $0x108  }
0x21: {  	s3 =	sadd.s32 s3, s9;
	s6 =	sadd.s32 @!p0 $0x88, s6;
	s7 =	simm.s32 @p2 $0x1082  }
0x22: {  	[simem:s7], [sflag:s8] =	dma.local @!p0 [hbm:s6], $0xF7A  }
0x23: {  	s9 =	sor.u32 $0xD0000000, s2;
	s6 =	simm.s32 $0x108;
	_ =	swait.ge @!p0 [sflag:s8], $0x0  }
0x24: {  	s3 =	sadd.s32 $0x88, s3;
	s6 =	simm.s32 @!p1 $0x1082;
	[sflag:s4] =	ssyncset.s32 $0xFFFFF086  }
0x25: {  	[simem:s6], [sflag:s4] =	dma.local [hbm:s3], $0xF7A  }
0x26: {  	[smem:$0x3F9B] =	sst s1;
	(tag) =	ssettag s2;
	_ =	strace s9  }
0x27: {  	s1 =	sld [smem:$0x3FAB]  }
0x28: {  	s2 =	sld [smem:$0x3FAC]  }
0x29: {  	s4 =	sld [smem:$0x3FAE]  }
0x2a: {  	p0 =	seq.s32 s5, $0x0;
	s5 =	sld [smem:$0x3FAF]  }
0x2b: {  	s6 =	sld [smem:$0x3FB0]  }
0x2c: {  	s7 =	sld [smem:$0x3FB1]  }
0x2d: {  	s3 =	simm.s32 $0x108;
	s8 =	sld [smem:$0x3FB2]  }
0x2e: {  	s3 =	simm.s32 @!p0 $0x1082;
	s9 =	sld [smem:$0x3FB3]  }
0x2f: {  	lr =	sadd.s32 s0, s3;
	s0 =	sld [smem:$0x3FAA]  }
0x30: {  	s3 =	sld [smem:$0x3FAD]  }
0x31: {  	[smem:$0x3FB6] =	sst s10  }
0x32: {  	s10 =	sld [smem:$0x3FB4];
	_ =	sdelay $0x3  }
0x33: {  	p0 =	seq.s32 s10, $0x1;
	s10 =	sld [smem:$0x3FB6];
	_ =	sdelay $0x3  }
0x34: {  	[smem:$0x3FB6] =	sst s10  }
0x35: {  	s10 =	sld [smem:$0x3FB5];
	_ =	sdelay $0x3  }
0x36: {  	p1 =	seq.s32 s10, $0x1;
	s10 =	sld [smem:$0x3FB6];
	_ =	sdelay $0x3  }
0x37: {  	[smem:$0x3FB6] =	sst s10  }
0x38: {  	s10 =	sld [smem:$0x3FB7]  }
0x39: {  	_ = 	snop;
	(pc) =	sbr.ind lr, $3  }
0x3a: {  	_ = 	snop  }
0x3b: {  	_ = 	snop  }
0x3c: {  	p2 =	seq.s32 s10, $0x1;
	s10 =	sld [smem:$0x3FB6]  }
0x3d: {  	_ =	shalt  }
0x3e: {  	_ =	shalt  }
0x3f: {  	_ =	shalt  }
0x40: {  	_ =	shalt  }
0x41: {  	_ =	shalt  }
0x42: {  	_ =	shalt  }
0x43: {  	_ =	shalt  }
0x44: {  	_ =	shalt  }
0x45: {  	_ =	shalt  }
0x46: {  	_ =	shalt  }
0x47: {  	_ =	shalt  }
0x48: {  	_ =	shalt  }
0x49: {  	_ =	shalt  }
0x4a: {  	_ =	shalt  }
0x4b: {  	_ =	shalt  }
0x4c: {  	_ =	shalt  }
0x4d: {  	_ =	shalt  }
0x4e: {  	_ =	shalt  }
0x4f: {  	_ =	shalt  }
0x50: {  	_ =	shalt  }
0x51: {  	_ =	shalt  }
0x52: {  	_ =	shalt  }
0x53: {  	_ =	shalt  }
0x54: {  	_ =	shalt  }
0x55: {  	_ =	shalt  }
0x56: {  	_ =	shalt  }
0x57: {  	_ =	shalt  }
0x58: {  	_ =	shalt  }
0x59: {  	_ =	shalt  }
0x5a: {  	_ =	shalt  }
0x5b: {  	_ =	shalt  }
0x5c: {  	_ =	shalt  }
0x5d: {  	_ =	shalt  }
0x5e: {  	_ =	shalt  }
0x5f: {  	_ =	shalt  }
0x60: {  	_ =	shalt  }
0x61: {  	_ =	shalt  }
0x62: {  	_ =	shalt  }
0x63: {  	_ =	shalt  }
0x64: {  	_ =	shalt  }
0x65: {  	_ =	shalt  }
0x66: {  	_ =	shalt  }
0x67: {  	_ =	shalt  }
0x68: {  	_ =	shalt  }
0x69: {  	_ =	shalt  }
0x6a: {  	_ =	shalt  }
0x6b: {  	_ =	shalt  }
0x6c: {  	_ =	shalt  }
0x6d: {  	_ =	shalt  }
0x6e: {  	_ =	shalt  }
0x6f: {  	_ =	shalt  }
0x70: {  	_ =	shalt  }
0x71: {  	_ =	shalt  }
0x72: {  	_ =	shalt  }
0x73: {  	_ =	shalt  }
0x74: {  	_ =	shalt  }
0x75: {  	_ =	shalt  }
0x76: {  	_ =	shalt  }
0x77: {  	_ =	shalt  }
0x78: {  	_ =	shalt  }
0x79: {  	_ =	shalt  }
0x7a: {  	_ =	shalt  }
0x7b: {  	_ =	shalt  }
0x7c: {  	_ =	shalt  }
0x7d: {  	_ =	shalt  }
0x7e: {  	_ =	shalt  }
0x7f: {  	_ =	shalt  }
0x80: {  	_ =	shalt  }
0x81: {  	_ =	shalt  }
0x82: {  	_ =	shalt  }
0x83: {  	_ =	shalt  }
0x84: {  	_ =	shalt  }
0x85: {  	_ =	shalt  }
0x86: {  	_ =	shalt  }
0x87: {  	_ =	shalt  }
.Lfunc_end0:
.L_simem_size_0:
called_computation.2_lowered:
.L_overlay_start_0:
0x88: {  	s2 =	sld [smem:$0x3FD9]  }
0x89: {  	s3 =	sld [smem:$0x3FFE];
	_ =	sdelay $0x1  }
0x8a: {  	s1 =	srdreg.scid  }
0x8b: {  	s0 =	sand.u32 $0x1, s1  }
0x8c: {  	s17 =	sshll.u32 s0, $0xA;
	s2 =	sadd.s32 s3, s2  }
0x8d: {  	s2 =	sadd.s32 s2, s17  }
0x8e: {  	[smem:$0x3FC2] =	sst s2  }
0x8f: {  	_ = 	snop  }
0x90: {  	s2 =	sld [smem:$0x3FD0];
	(tm) =	ssettm $0x1  }
0x91: {  	s18 =	sld [smem:$0x3FFB];
	_ =	sdelay $0x3  }
0x92: {  	_ =	strace s18  }
0x93: {  	s3 =	sld [smem:$0x3FFC];
	_ =	sdelay $0x3  }
0x94: {  	_ =	strace s3  }
0x95: {  	s3 =	sld [smem:$0x3FFD];
	_ =	sdelay $0x3  }
0x96: {  	_ =	strace s3  }
0x97: {  	_ =	strace $0x8FFFFFFF  }
0x98: {  	s19 =	sld [smem:$0x3FDB];
	_ =	sdelay $0x1  }
0x99: {  	s4 =	simm.s32 $_scs_section_size  }
0x9a: {  	s5 =	simm.s32 $_size__tile_overlayer_lowered;
	s6 =	simm.s32 $_tile_overlayer_lowered  }
0x9b: {  	s22 =	simm.s32 $0x1BFF;
	s21 =	sshll.u32 s6, $0x1;
	s3 =	sadd.s32 s4, s19  }
0x9c: {  	s7 =	simm.s32 $0x0;
	s20 =	sshll.u32 s5, $0x1;
	s5 =	sadd.s32 s21, s3  }
0x9d: {  	[timem:s7], [sflag:s22] =	dma.local [hbm:s5], s20  }
0x9e: {  	_ =	swait.ge [sflag:s22], s20  }
0x9f: {  	s4 =	ssub.s32 $0x0, s20;
	[sflag:s22] =	ssyncset.done $0x0  }
0xa0: {  	[sflag:s22] =	ssyncadd.s32 s4;
	_ =	sdelay $0x1  }
0xa1: {  	s23 =	simm.s32 $0x1B8B  }
0xa2: {  	_ =	swait.ge [sflag:s23], $0x1  }
0xa3: {  	[sflag:s23] =	ssyncset.done $0x0  }
0xa4: {  	s25 =	simm.s32 $0x1B8E;
	s24 =	sld [smem:$0x3FFE];
	[sflag:s23] =	ssyncadd.s32 $0xFFFFFFFF  }
0xa5: {  	s26 =	simm.s32 $execute0_lowered;
	[smem:$0x3FD2] =	sst s25  }
0xa6: {  	s5 =	sshll.u32 s26, $0x1;
	_ =	strace $0x8000004C;
	[dreg:$0x1] =	wrdreg $0xFFFFFFFF  }
0xa7: {  	s28 =	simm.s32 $_size_execute0_lowered;
	s3 =	sadd.s32 s3, s5;
	[dreg:$0x0] =	wrdreg $0x0  }
0xa8: {  	s5 =	sshll.u32 s28, $0x1;
	[dreg:$0x2] =	wrdreg s3  }
0xa9: {  	[dreg:$0x3] =	wrdreg s5  }
0xaa: {  	[dreg:$0x4] =	wrdreg $0xC0  }
0xab: {  	_ =	task [dreg:s7], $0x5FFFF  }
0xac: {  	[dreg:$0x1] =	wrdreg $0xFFFFFFFF  }
0xad: {  	[dreg:$0x0] =	wrdreg $0x60  }
0xae: {  	[dreg:$0x2] =	wrdreg s24  }
0xaf: {  	[dreg:$0x3] =	wrdreg s2  }
0xb0: {  	[dreg:$0x4] =	wrdreg $0xBC000  }
0xb1: {  	[dreg:$0x5] =	wrdreg $0x9  }
0xb2: {  	_ =	task.clear_ibuf [dreg:s7], $0x6FFFF;
	_ =	strace $0x9000004C  }
0xb3: {  	s29 =	simm.s32 $0x9;
	_ =	strace $0x8000004E  }
0xb4: {  	_ =	swait.ge [sflag:s29], $0x1  }
0xb5: {  	[sflag:s29] =	ssyncadd.s32 $0xFFFFFFFF  }
0xb6: {  	_ =	strace $0x9000004E  }
0xb7: {  	_ =	sfence  }
0xb8: {  	s30 =	sld [smem:$0x0];
	_ =	sdelay $0x2  }
0xb9: {  	s31 =	sshll.u32 s1, $0xD;
	s1 =	sshrl.u32 s1, $0x2  }
0xba: {  	s3 =	sand.u32 $0x4000, s31;
	s1 =	sadd.s32 s1, s30  }
0xbb: {  	s0 =	sor.u32 s3, s0;
	s1 =	sshll.u32 s1, $0x11  }
0xbc: {  	s0 =	sor.u32 s1, s0  }
0xbd: {  	s0 =	sadd.s32 $0x8F2B, s0  }
0xbe: {  	[sflag:s0] =	ssyncadd.remote.s32 $0x1  }
0xbf: {  	_ =	sfence.sel $0xFFFF  }
0xc0: {  	[dreg:$0x0] =	wrdreg $0xFFFFFFFF;
	(pc) =	sbr.abs _section_cstart, $3  }
0xc1: {  	[dreg:$0x1] =	wrdreg $0xFFFFFFFF  }
0xc2: {  	_ =	task.clear_ibuf [dreg:s7], $0x2FFFF;
	_ =	strace $0x9FFFFFFF  }
0xc3: {  	(tm) =	ssettm $0x7FFFFFFF  }
tec
execute0_lowered:
.L_overlay_start_1:
0x0: {  	(tag) =	ssettag $0x1  }
0x1: {  	s5 =	rddreg [dreg:$0x0]  }
0x2: {  	s6 =	rddreg [dreg:$0x1];
	s1 =	srdreg.scid  }
0x3: {  	s0 =	stileid.u32;
	s2 =	rddreg [dreg:$0x2];
	s3 =	simm.s32 $0x0  }
0x4: {  	s16 =	simm.s32 $0x2800;
	s17 =	simm.s32 $0x1;
	s18 =	simm.s32 $0x7C00  }
0x5: {  	s19 =	simm.s32 $0x2;
	s20 =	simm.s32 $0x2780;
	s21 =	simm.s32 $0x3B00  }
0x6: {  	s22 =	simm.s32 $0x3B80;
	s23 =	simm.s32 $0x0;
	s12 =	sand.u32 $0x1, s1  }
0x7: {  	s4 =	sshll.u32 s0, $0x1;
	s1 =	rddreg [dreg:$0x3];
	s8 =	smul.u32 $0x13C00, s0  }
0x8: {  	[smem:$0x7FF] =	sst s3;
	s13 =	smul.u32 $0x4F000, s0;
	s31 =	sshll.u32 s0, $0x6  }
0x9: {  	s4 =	sor.u32 s12, s4;
	_ =	strace $0x8000004D;
	s9 =	smul.u32 $0x13C000, s12  }
0xa: {  	s30 =	ssub.s32 $0x2, s12;
	p0 =	seq.s32 s12, $0x0;
	s7 =	smul.u32 $0x2800, s4  }
0xb: {  	s4 =	sadd.s32 $0x29600, s5;
	s11 =	sshrl.u32 s8, $0x3;
	s14 =	sshrl.u32 s30, $0x1  }
0xc: {  	s13 =	sshrl.u32 s13, $0x2;
	s11 =	sadd.s32 s11, s5;
	s8 =	sadd.s32 s8, s9  }
0xd: {  	s14 =	ssub.s32 s30, s14;
	s13 =	sadd.s32 s13, s2;
	s7 =	sshrl.u32 s7, $0x3  }
.Ltmp0:
0xe: {  	s8 =	sshrl.u32 s8, $0x3;
	s12 =	sshrl.u32 s13, $0x3;
	(pc) =	sbr.rel .LBB2_1-.Ltmp0, $4  }
0xf: {  	s13 =	simm.s32 $0x3;
	s10 =	sadd.s32 s7, s5;
	s15 =	sadd.s32 s8, s5  }
0x10: {  	s5 =	sadd.s32 $0x1E00, s11;
	s6 =	sadd.s32 s6, s7;
	s7 =	sor.u32 $0x1C03, s31  }
0x11: {  	s11 =	smax.u32 s14, $0x1;
	s14 =	simm.s32 $0x80;
	s8 =	sadd.s32 $0x78E00, s10  }
0x12: {  	s9 =	sadd.s32 $0x280, s6;
	s10 =	sadd.s32 $0x82E00, s15;
	s15 =	simm.s32 $0x3C00  }
.LBB2_6:
0x13: {  	[sflag:s13] =	ssyncadd.s32 $0xFFFFC000  }
0x14: {  	_ =	swait.ge [sflag:s17], $0x4000  }
0x15: {  	[sflag:s17] =	ssyncset.done $0x0  }
0x16: {  	[sflag:s17] =	ssyncadd.s32 $0xFFFFC000  }
0x17: {  	[tilespmem:s18], [sflag:$0x2] =	stream.indirect.gather [hbm4b:s4+s14], $0x80, s20, s14, $0xb8;
	[tilespmem:$0x1F800] =	vst v63  }
0x18: {  	_ = 	snop  }
0x19: {  	[spmem:s2] =	stream.indirect.scatter.add.f32 [tilespmem:s15], [sflag:$0x3], $0x80, s21, s14, $0xb8;
	[tilespmem:$0x1F800] =	vst v63  }
0x1a: {  	_ =	swait.ge [sflag:s13], $0x4000  }
0x1b: {  	[sflag:s13] =	ssyncset.done $0x0  }
0x1c: {  	[sflag:s13] =	ssyncadd.s32 $0xFFFFC000  }
0x1d: {  	_ =	swait.ge [sflag:s19], $0x4000  }
0x1e: {  	[sflag:s19] =	ssyncset.done $0x0  }
0x1f: {  	[sflag:s19] =	ssyncadd.s32 $0xFFFFC000  }
0x20: {  	[spmem:s2] =	stream.indirect.scatter.add.f32 [tilespmem:s18], [sflag:$0x3], $0x80, s22, s14, $0xb8;
	[tilespmem:$0x1F800] =	vst v63  }
0x21: {  	_ =	swait.ge [sflag:s13], $0x4000  }
0x22: {  	[sflag:s13] =	ssyncset.done $0x0  }
0x23: {  	[sflag:s13] =	ssyncadd.s32 $0xFFFFC000  }
.LBB2_7:
0x24: {  	s23 =	sadd.s32 $0x1, s23  }
0x25: {  	p1 =	sne.s32 s23, s11  }
.Ltmp1:
0x26: {  	[bflag:$0x0] =	sbarrier.arrive $0xFFFF;
	(pc) =	sbr.rel @!p1 .LBB2_8-.Ltmp1, $4  }
0x27: {  	[hbm:s10], [sflag:s7] =	dma.local [spmem:s12], $0x2780  }
0x28: {  	_ =	swait.ge [sflag:s13], $0x2780  }
0x29: {  	[sflag:s13] =	ssyncset.done $0x0  }
0x2a: {  	[sflag:s13] =	ssyncadd.s32 $0xFFFFD880  }
.LBB2_1:
0x2b: {  	[spmem:s12], [sflag:s7] =	dma.local [hbm:s5], $0x2780  }
0x2c: {  	_ =	swait.ge [sflag:s13], $0x2780  }
0x2d: {  	[sflag:s13] =	ssyncset.done $0x0  }
0x2e: {  	[sflag:s13] =	ssyncadd.s32 $0xFFFFD880  }
0x2f: {  	[tilespmem:s3], [sflag:$0x3] =	stream.linear.gather [hbm4b:s8+s3], $0x2800, $0x38;
	[tilespmem:$0x1F800] =	vst v63  }
.Ltmp2:
0x30: {  	_ =	swait.ge [sflag:s13], $0x2800;
	(pc) =	sbr.rel @p0 .LBB2_7-.Ltmp2, $3  }
0x31: {  	[sflag:s13] =	ssyncset.done $0x0  }
0x32: {  	[sflag:s13] =	ssyncadd.s32 $0xFFFFD800  }
0x33: {  	[bflag:$0x0] =	sbarrier.arrive $0xFFFF;
	_ =	sdelay $0x1  }
0x34: {  	s24 =	simm.s32 $0x0  }
0x35: {  	[tilespmem:s15], [sflag:$0x1] =	stream.indirect.gather [hbm4b:s4+s14], $0x80, s24, s14, $0xb8;
	[tilespmem:$0x1F800] =	vst v63  }
0x36: {  	_ = 	snop  }
0x37: {  	[tilespmem:s16], [sflag:$0x3] =	stream.linear.gather [hbm4b:s6+s24], $0x1400, $0x38;
	[tilespmem:$0x1F800] =	vst v63  }
0x38: {  	_ =	swait.ge [sflag:s13], $0x1400  }
0x39: {  	[sflag:s13] =	ssyncset.done $0x0  }
0x3a: {  	[sflag:s13] =	ssyncadd.s32 $0xFFFFEC00  }
0x3b: {  	_ =	swait.ge [sflag:s17], $0x4000  }
0x3c: {  	[sflag:s17] =	ssyncset.done $0x0  }
0x3d: {  	s28 =	simm.s32 $0x80;
	[sflag:s17] =	ssyncadd.s32 $0xFFFFC000  }
0x3e: {  	[tilespmem:s18], [sflag:$0x2] =	stream.indirect.gather [hbm4b:s4+s14], $0x80, s28, s14, $0xb8;
	[tilespmem:$0x1F800] =	vst v63  }
0x3f: {  	s29 =	simm.s32 $0x2800  }
0x40: {  	[spmem:s2] =	stream.indirect.scatter.add.f32 [tilespmem:s15], [sflag:$0x3], $0x80, s29, s14, $0xb8;
	[tilespmem:$0x1F800] =	vst v63  }
0x41: {  	_ =	swait.ge [sflag:s13], $0x4000  }
0x42: {  	[sflag:s13] =	ssyncset.done $0x0  }
0x43: {  	[sflag:s13] =	ssyncadd.s32 $0xFFFFC000  }
0x44: {  	_ =	swait.ge [sflag:s19], $0x4000  }
0x45: {  	[sflag:s19] =	ssyncset.done $0x0  }
0x46: {  	s30 =	simm.s32 $0x100;
	[sflag:s19] =	ssyncadd.s32 $0xFFFFC000  }
0x47: {  	[tilespmem:s15], [sflag:$0x1] =	stream.indirect.gather [hbm4b:s4+s14], $0x80, s30, s14, $0xb8;
	[tilespmem:$0x1F800] =	vst v63  }
0x48: {  	s31 =	simm.s32 $0x2880  }
0x49: {  	[spmem:s2] =	stream.indirect.scatter.add.f32 [tilespmem:s18], [sflag:$0x3], $0x80, s31, s14, $0xb8;
	[tilespmem:$0x1F800] =	vst v63  }
0x4a: {  	_ =	swait.ge [sflag:s13], $0x4000  }
0x4b: {  	s24 =	simm.s32 $0x400;
	[sflag:s13] =	ssyncset.done $0x0  }
.LBB2_3:
0x4c: {  	p1 =	sne.s32 s24, $0x4C00  }
0x4d: {  	[sflag:s13] =	ssyncadd.s32 $0xFFFFC000;
	s25 =	smov.u32 s24;
	s24 =	sadd.s32 $0x400, s24  }
0x4e: {  	_ = 	snop  }
0x4f: {  	_ =	swait.ge [sflag:s17], $0x4000  }
0x50: {  	s25 =	sshra.s32 s25, $0x2;
	[sflag:s17] =	ssyncset.done $0x0  }
0x51: {  	s26 =	sadd.s32 $0x80, s25;
	[sflag:s17] =	ssyncadd.s32 $0xFFFFC000  }
0x52: {  	[tilespmem:s18], [sflag:$0x2] =	stream.indirect.gather [hbm4b:s4+s14], $0x80, s26, s14, $0xb8;
	[tilespmem:$0x1F800] =	vst v63  }
0x53: {  	s26 =	sadd.s32 $0x2800, s25  }
0x54: {  	[spmem:s2] =	stream.indirect.scatter.add.f32 [tilespmem:s15], [sflag:$0x3], $0x80, s26, s14, $0xb8;
	[tilespmem:$0x1F800] =	vst v63  }
0x55: {  	_ =	swait.ge [sflag:s13], $0x4000  }
0x56: {  	[sflag:s13] =	ssyncset.done $0x0  }
0x57: {  	[sflag:s13] =	ssyncadd.s32 $0xFFFFC000  }
0x58: {  	_ =	swait.ge [sflag:s19], $0x4000  }
0x59: {  	[sflag:s19] =	ssyncset.done $0x0  }
0x5a: {  	s26 =	sadd.s32 $0x100, s25;
	[sflag:s19] =	ssyncadd.s32 $0xFFFFC000  }
0x5b: {  	[tilespmem:s15], [sflag:$0x1] =	stream.indirect.gather [hbm4b:s4+s14], $0x80, s26, s14, $0xb8;
	[tilespmem:$0x1F800] =	vst v63  }
.Ltmp3:
0x5c: {  	_ = 	snop;
	(pc) =	sbr.rel @p1 .LBB2_3-.Ltmp3, $4  }
0x5d: {  	s25 =	sadd.s32 $0x2880, s25  }
0x5e: {  	[spmem:s2] =	stream.indirect.scatter.add.f32 [tilespmem:s18], [sflag:$0x3], $0x80, s25, s14, $0xb8;
	[tilespmem:$0x1F800] =	vst v63  }
0x5f: {  	_ =	swait.ge [sflag:s13], $0x4000  }
0x60: {  	[sflag:s13] =	ssyncset.done $0x0  }
0x61: {  	[sflag:s13] =	ssyncadd.s32 $0xFFFFC000;
	s24 =	simm.s32 $0x0  }
0x62: {  	[tilespmem:s16], [sflag:$0x3] =	stream.linear.gather [hbm4b:s9+s24], $0x1400, $0x38;
	[tilespmem:$0x1F800] =	vst v63  }
0x63: {  	_ =	swait.ge [sflag:s13], $0x1400  }
0x64: {  	[sflag:s13] =	ssyncset.done $0x0  }
0x65: {  	[sflag:s13] =	ssyncadd.s32 $0xFFFFEC00  }
0x66: {  	_ =	swait.ge [sflag:s17], $0x4000  }
0x67: {  	[sflag:s17] =	ssyncset.done $0x0  }
0x68: {  	s28 =	simm.s32 $0x1480;
	[sflag:s17] =	ssyncadd.s32 $0xFFFFC000  }
0x69: {  	[tilespmem:s18], [sflag:$0x2] =	stream.indirect.gather [hbm4b:s4+s14], $0x80, s28, s14, $0xb8;
	[tilespmem:$0x1F800] =	vst v63  }
0x6a: {  	s29 =	simm.s32 $0x2800  }
0x6b: {  	[spmem:s2] =	stream.indirect.scatter.add.f32 [tilespmem:s15], [sflag:$0x3], $0x80, s29, s14, $0xb8;
	[tilespmem:$0x1F800] =	vst v63  }
0x6c: {  	_ =	swait.ge [sflag:s13], $0x4000  }
0x6d: {  	[sflag:s13] =	ssyncset.done $0x0  }
0x6e: {  	[sflag:s13] =	ssyncadd.s32 $0xFFFFC000  }
0x6f: {  	_ =	swait.ge [sflag:s19], $0x4000  }
0x70: {  	[sflag:s19] =	ssyncset.done $0x0  }
0x71: {  	s30 =	simm.s32 $0x1500;
	[sflag:s19] =	ssyncadd.s32 $0xFFFFC000  }
0x72: {  	[tilespmem:s15], [sflag:$0x1] =	stream.indirect.gather [hbm4b:s4+s14], $0x80, s30, s14, $0xb8;
	[tilespmem:$0x1F800] =	vst v63  }
0x73: {  	s31 =	simm.s32 $0x2880  }
0x74: {  	[spmem:s2] =	stream.indirect.scatter.add.f32 [tilespmem:s18], [sflag:$0x3], $0x80, s31, s14, $0xb8;
	[tilespmem:$0x1F800] =	vst v63  }
0x75: {  	_ =	swait.ge [sflag:s13], $0x4000  }
0x76: {  	s24 =	simm.s32 $0x400;
	[sflag:s13] =	ssyncset.done $0x0  }
.LBB2_5:
0x77: {  	p1 =	sne.s32 s24, $0x4800  }
0x78: {  	[sflag:s13] =	ssyncadd.s32 $0xFFFFC000;
	s25 =	smov.u32 s24;
	s24 =	sadd.s32 $0x400, s24  }
0x79: {  	_ = 	snop  }
0x7a: {  	_ =	swait.ge [sflag:s17], $0x4000  }
0x7b: {  	s25 =	sshra.s32 s25, $0x2;
	[sflag:s17] =	ssyncset.done $0x0  }
0x7c: {  	s26 =	sadd.s32 $0x1480, s25;
	[sflag:s17] =	ssyncadd.s32 $0xFFFFC000  }
0x7d: {  	[tilespmem:s18], [sflag:$0x2] =	stream.indirect.gather [hbm4b:s4+s14], $0x80, s26, s14, $0xb8;
	[tilespmem:$0x1F800] =	vst v63  }
0x7e: {  	s26 =	sadd.s32 $0x2800, s25  }
0x7f: {  	[spmem:s2] =	stream.indirect.scatter.add.f32 [tilespmem:s15], [sflag:$0x3], $0x80, s26, s14, $0xb8;
	[tilespmem:$0x1F800] =	vst v63  }
0x80: {  	_ =	swait.ge [sflag:s13], $0x4000  }
0x81: {  	[sflag:s13] =	ssyncset.done $0x0  }
0x82: {  	[sflag:s13] =	ssyncadd.s32 $0xFFFFC000  }
0x83: {  	_ =	swait.ge [sflag:s19], $0x4000  }
0x84: {  	[sflag:s19] =	ssyncset.done $0x0  }
0x85: {  	s26 =	sadd.s32 $0x1500, s25;
	[sflag:s19] =	ssyncadd.s32 $0xFFFFC000  }
0x86: {  	[tilespmem:s15], [sflag:$0x1] =	stream.indirect.gather [hbm4b:s4+s14], $0x80, s26, s14, $0xb8;
	[tilespmem:$0x1F800] =	vst v63  }
.Ltmp4:
0x87: {  	_ = 	snop;
	(pc) =	sbr.rel @p1 .LBB2_5-.Ltmp4, $4  }
0x88: {  	s25 =	sadd.s32 $0x2880, s25  }
0x89: {  	[spmem:s2] =	stream.indirect.scatter.add.f32 [tilespmem:s18], [sflag:$0x3], $0x80, s25, s14, $0xb8;
	[tilespmem:$0x1F800] =	vst v63  }
0x8a: {  	_ =	swait.ge [sflag:s13], $0x4000  }
0x8b: {  	[sflag:s13] =	ssyncset.done $0x0  }
.Ltmp5:
0x8c: {  	_ = 	snop;
	(pc) =	sbr.rel .LBB2_6-.Ltmp5, $1  }
0x8d: {  	_ =	sdelay $0x3  }
.LBB2_8:
0x8e: {  	_ =	sfence.sel $0x180000  }
0x8f: {  	[bflag:$0x0] =	sbarrier.arrive $0xFFFF  }
0x90: {  	p0 =	sne.s32 s0, $0x0;
	_ =	strace $0x9000004D  }
0x91: {  	s0 =	sadd.s32 @!p0 $0x100000, s1;
	[bflag:$0x2] =	sbarrier.arrive $0xFFFF  }
0x92: {  	[sflag:s0] =	ssyncadd.tile.s32 @!p0 $0x1;
	_ =	shalt  }
.Lfunc_end2:
_tile_overlayer_lowered:
.L_overlay_start_2:
0x93: {  	(tag) =	ssettag $0x2  }
0x94: {  	s0 =	rddreg [dreg:$0x0];
	s2 =	stileid.u32  }
0x95: {  	s1 =	rddreg [dreg:$0x1];
	p0 =	sne.s32 s2, $0x0  }
0x96: {  	s3 =	rddreg [dreg:$0x2];
	[bflag:$0x3] =	sbarrier.arrive $0xFFFF;
	s2 =	simm.s32 @!p0 $0x1C03  }
0x97: {  	[timem:s3], [sflag:s2] =	dma.local @!p0 [hbm:s0], s1  }
0x98: {  	s0 =	simm.s32 @!p0 $0x3  }
0x99: {  	_ =	swait.ge @!p0 [sflag:s0], s1  }
0x9a: {  	s1 =	ssub.s32 @!p0 $0x0, s1;
	[sflag:s0] =	ssyncset.done @!p0 $0x0  }
0x9b: {  	[sflag:s0] =	ssyncadd.s32 @!p0 s1  }
0x9c: {  	[bflag:$0x3] =	sbarrier.arrive $0xFFFF  }
0x9d: {  	_ =	shalt  }

// kernel: kernel.8.cloned.1.call-start
scs
__scs_entry_jumppad:
0x0: {  	(pc) =	sbr.rel $0x88, $3  }
0x1: {  	(tag) =	ssettag $0x0;
	lr =	simm.s32 $0x1  }
0x2: {  	[smem:$0x3F9B] =	sst lr;
	_ =	strace $0xD0000000  }
0x3: {  	_ = 	snop  }
0x4: {  	_ = 	snop  }
0x5: {  	_ = 	snop  }
0x6: {  	_ = 	snop  }
0x7: {  	_ = 	snop  }
__scs_overlays_trampoline_lowered:
0x8: {  	[smem:$0x3FAA] =	sst s0  }
0x9: {  	[smem:$0x3FAB] =	sst s1  }
0xa: {  	[smem:$0x3FAC] =	sst s2  }
0xb: {  	[smem:$0x3FAD] =	sst s3  }
0xc: {  	[smem:$0x3FAE] =	sst s4  }
0xd: {  	[smem:$0x3FAF] =	sst s5  }
0xe: {  	[smem:$0x3FB0] =	sst s6  }
0xf: {  	[smem:$0x3FB1] =	sst s7  }
0x10: {  	[smem:$0x3FB2] =	sst s8  }
0x11: {  	[smem:$0x3FB3] =	sst s9;
	s0 =	simm.s32 @!p0 $0x0  }
0x12: {  	s1 =	sld [smem:$0x3F99];
	s0 =	simm.s32 @p0 $0x1  }
0x13: {  	[smem:$0x3FB4] =	sst s0;
	s0 =	simm.s32 @!p1 $0x0  }
0x14: {  	s2 =	sld [smem:$0x3F98];
	s0 =	simm.s32 @p1 $0x1  }
0x15: {  	[smem:$0x3FB5] =	sst s0;
	s0 =	simm.s32 @!p2 $0x0  }
0x16: {  	s3 =	sld [smem:$0x3FDB];
	s0 =	simm.s32 @p2 $0x1  }
0x17: {  	s4 =	simm.s32 $0x1BF5;
	[smem:$0x3FB7] =	sst s0  }
0x18: {  	s0 =	sld [smem:$0x3F9A];
	_ =	swait.ge [sflag:s4], $0x0  }
0x19: {  	s7 =	sld [smem:$0x3F9B]  }
0x1a: {  	s8 =	sadd.s32 $0xFFFFE003, lr  }
0x1b: {  	s9 =	sadd.s32 $0xFFFFFEF7, lr;
	s5 =	simm.s32 $0xFFFFFFFF;
	p2 =	slt.u32 s8, $0xFFFFF086  }
0x1c: {  	p1 =	slt.u32 s9, $0xF7A;
	s5 =	simm.s32 @!p2 $0x0  }
0x1d: {  	s5 =	simm.s32 @p1 $0x1;
	p0 =	seq.s32 s7, s2  }
0x1e: {  	s7 =	smul.u32 @!p0 $0xF7A, s2;
	p2 =	seq.s32 @!p0 s5, $0x0  }
0x1f: {  	s9 =	smul.u32 $0xF7A, s1;
	s8 =	simm.s32 @!p0 $0x1BF5;
	p2 =	por !p2, p0  }
0x20: {  	[sflag:s8] =	ssyncset.s32 @!p0 $0xFFFFF086;
	s6 =	sadd.s32 @!p0 s3, s7;
	s7 =	simm.s32 @!p0 $0x108  }
0x21: {  	s3 =	sadd.s32 s3, s9;
	s6 =	sadd.s32 @!p0 $0x88, s6;
	s7 =	simm.s32 @p2 $0x1082  }
0x22: {  	[simem:s7], [sflag:s8] =	dma.local @!p0 [hbm:s6], $0xF7A  }
0x23: {  	s9 =	sor.u32 $0xD0000000, s2;
	s6 =	simm.s32 $0x108;
	_ =	swait.ge @!p0 [sflag:s8], $0x0  }
0x24: {  	s3 =	sadd.s32 $0x88, s3;
	s6 =	simm.s32 @!p1 $0x1082;
	[sflag:s4] =	ssyncset.s32 $0xFFFFF086  }
0x25: {  	[simem:s6], [sflag:s4] =	dma.local [hbm:s3], $0xF7A  }
0x26: {  	[smem:$0x3F9B] =	sst s1;
	(tag) =	ssettag s2;
	_ =	strace s9  }
0x27: {  	s1 =	sld [smem:$0x3FAB]  }
0x28: {  	s2 =	sld [smem:$0x3FAC]  }
0x29: {  	s4 =	sld [smem:$0x3FAE]  }
0x2a: {  	p0 =	seq.s32 s5, $0x0;
	s5 =	sld [smem:$0x3FAF]  }
0x2b: {  	s6 =	sld [smem:$0x3FB0]  }
0x2c: {  	s7 =	sld [smem:$0x3FB1]  }
0x2d: {  	s3 =	simm.s32 $0x108;
	s8 =	sld [smem:$0x3FB2]  }
0x2e: {  	s3 =	simm.s32 @!p0 $0x1082;
	s9 =	sld [smem:$0x3FB3]  }
0x2f: {  	lr =	sadd.s32 s0, s3;
	s0 =	sld [smem:$0x3FAA]  }
0x30: {  	s3 =	sld [smem:$0x3FAD]  }
0x31: {  	[smem:$0x3FB6] =	sst s10  }
0x32: {  	s10 =	sld [smem:$0x3FB4];
	_ =	sdelay $0x3  }
0x33: {  	p0 =	seq.s32 s10, $0x1;
	s10 =	sld [smem:$0x3FB6];
	_ =	sdelay $0x3  }
0x34: {  	[smem:$0x3FB6] =	sst s10  }
0x35: {  	s10 =	sld [smem:$0x3FB5];
	_ =	sdelay $0x3  }
0x36: {  	p1 =	seq.s32 s10, $0x1;
	s10 =	sld [smem:$0x3FB6];
	_ =	sdelay $0x3  }
0x37: {  	[smem:$0x3FB6] =	sst s10  }
0x38: {  	s10 =	sld [smem:$0x3FB7]  }
0x39: {  	_ = 	snop;
	(pc) =	sbr.ind lr, $3  }
0x3a: {  	_ = 	snop  }
0x3b: {  	_ = 	snop  }
0x3c: {  	p2 =	seq.s32 s10, $0x1;
	s10 =	sld [smem:$0x3FB6]  }
0x3d: {  	_ =	shalt  }
0x3e: {  	_ =	shalt  }
0x3f: {  	_ =	shalt  }
0x40: {  	_ =	shalt  }
0x41: {  	_ =	shalt  }
0x42: {  	_ =	shalt  }
0x43: {  	_ =	shalt  }
0x44: {  	_ =	shalt  }
0x45: {  	_ =	shalt  }
0x46: {  	_ =	shalt  }
0x47: {  	_ =	shalt  }
0x48: {  	_ =	shalt  }
0x49: {  	_ =	shalt  }
0x4a: {  	_ =	shalt  }
0x4b: {  	_ =	shalt  }
0x4c: {  	_ =	shalt  }
0x4d: {  	_ =	shalt  }
0x4e: {  	_ =	shalt  }
0x4f: {  	_ =	shalt  }
0x50: {  	_ =	shalt  }
0x51: {  	_ =	shalt  }
0x52: {  	_ =	shalt  }
0x53: {  	_ =	shalt  }
0x54: {  	_ =	shalt  }
0x55: {  	_ =	shalt  }
0x56: {  	_ =	shalt  }
0x57: {  	_ =	shalt  }
0x58: {  	_ =	shalt  }
0x59: {  	_ =	shalt  }
0x5a: {  	_ =	shalt  }
0x5b: {  	_ =	shalt  }
0x5c: {  	_ =	shalt  }
0x5d: {  	_ =	shalt  }
0x5e: {  	_ =	shalt  }
0x5f: {  	_ =	shalt  }
0x60: {  	_ =	shalt  }
0x61: {  	_ =	shalt  }
0x62: {  	_ =	shalt  }
0x63: {  	_ =	shalt  }
0x64: {  	_ =	shalt  }
0x65: {  	_ =	shalt  }
0x66: {  	_ =	shalt  }
0x67: {  	_ =	shalt  }
0x68: {  	_ =	shalt  }
0x69: {  	_ =	shalt  }
0x6a: {  	_ =	shalt  }
0x6b: {  	_ =	shalt  }
0x6c: {  	_ =	shalt  }
0x6d: {  	_ =	shalt  }
0x6e: {  	_ =	shalt  }
0x6f: {  	_ =	shalt  }
0x70: {  	_ =	shalt  }
0x71: {  	_ =	shalt  }
0x72: {  	_ =	shalt  }
0x73: {  	_ =	shalt  }
0x74: {  	_ =	shalt  }
0x75: {  	_ =	shalt  }
0x76: {  	_ =	shalt  }
0x77: {  	_ =	shalt  }
0x78: {  	_ =	shalt  }
0x79: {  	_ =	shalt  }
0x7a: {  	_ =	shalt  }
0x7b: {  	_ =	shalt  }
0x7c: {  	_ =	shalt  }
0x7d: {  	_ =	shalt  }
0x7e: {  	_ =	shalt  }
0x7f: {  	_ =	shalt  }
0x80: {  	_ =	shalt  }
0x81: {  	_ =	shalt  }
0x82: {  	_ =	shalt  }
0x83: {  	_ =	shalt  }
0x84: {  	_ =	shalt  }
0x85: {  	_ =	shalt  }
0x86: {  	_ =	shalt  }
0x87: {  	_ =	shalt  }
.Lfunc_end0:
.L_simem_size_0:
called_computation_lowered:
.L_overlay_start_0:
0x88: {  	s2 =	sld [smem:$0x3FD9]  }
0x89: {  	s3 =	sld [smem:$0x3FFE];
	_ =	sdelay $0x1  }
0x8a: {  	s1 =	srdreg.scid  }
0x8b: {  	s0 =	sand.u32 $0x1, s1  }
0x8c: {  	s17 =	sshll.u32 s0, $0xA;
	s2 =	sadd.s32 s3, s2  }
0x8d: {  	s2 =	sadd.s32 s2, s17  }
0x8e: {  	[smem:$0x3FC2] =	sst s2  }
0x8f: {  	_ = 	snop  }
0x90: {  	s2 =	sld [smem:$0x3FD0];
	(tm) =	ssettm $0x1  }
0x91: {  	s18 =	sld [smem:$0x3FFB];
	_ =	sdelay $0x3  }
0x92: {  	_ =	strace s18  }
0x93: {  	s3 =	sld [smem:$0x3FFC];
	_ =	sdelay $0x3  }
0x94: {  	_ =	strace s3  }
0x95: {  	s3 =	sld [smem:$0x3FFD];
	_ =	sdelay $0x3  }
0x96: {  	_ =	strace s3  }
0x97: {  	_ =	strace $0x8FFFFFFF  }
0x98: {  	s19 =	sld [smem:$0x3FDB];
	_ =	sdelay $0x1  }
0x99: {  	s4 =	simm.s32 $_scs_section_size  }
0x9a: {  	s5 =	simm.s32 $_size__tile_overlayer_lowered;
	s6 =	simm.s32 $_tile_overlayer_lowered  }
0x9b: {  	s22 =	simm.s32 $0x1BFF;
	s21 =	sshll.u32 s6, $0x1;
	s3 =	sadd.s32 s4, s19  }
0x9c: {  	s7 =	simm.s32 $0x0;
	s20 =	sshll.u32 s5, $0x1;
	s5 =	sadd.s32 s21, s3  }
0x9d: {  	[timem:s7], [sflag:s22] =	dma.local [hbm:s5], s20  }
0x9e: {  	_ =	swait.ge [sflag:s22], s20  }
0x9f: {  	s4 =	ssub.s32 $0x0, s20;
	[sflag:s22] =	ssyncset.done $0x0  }
0xa0: {  	[sflag:s22] =	ssyncadd.s32 s4;
	_ =	sdelay $0x1  }
0xa1: {  	s23 =	simm.s32 $0x1B8B  }
0xa2: {  	_ =	swait.ge [sflag:s23], $0x1  }
0xa3: {  	[sflag:s23] =	ssyncset.done $0x0  }
0xa4: {  	s25 =	simm.s32 $0x1B8E;
	s24 =	sld [smem:$0x3FFE];
	[sflag:s23] =	ssyncadd.s32 $0xFFFFFFFF  }
0xa5: {  	s26 =	simm.s32 $execute0_lowered;
	[smem:$0x3FD2] =	sst s25  }
0xa6: {  	s5 =	sshll.u32 s26, $0x1;
	_ =	strace $0x80000046;
	[dreg:$0x1] =	wrdreg $0xFFFFFFFF  }
0xa7: {  	s28 =	simm.s32 $_size_execute0_lowered;
	s3 =	sadd.s32 s3, s5;
	[dreg:$0x0] =	wrdreg $0x0  }
0xa8: {  	s5 =	sshll.u32 s28, $0x1;
	[dreg:$0x2] =	wrdreg s3  }
0xa9: {  	[dreg:$0x3] =	wrdreg s5  }
0xaa: {  	[dreg:$0x4] =	wrdreg $0xC0  }
0xab: {  	_ =	task [dreg:s7], $0x5FFFF  }
0xac: {  	[dreg:$0x1] =	wrdreg $0xFFFFFFFF  }
0xad: {  	[dreg:$0x0] =	wrdreg $0x60  }
0xae: {  	[dreg:$0x2] =	wrdreg s2  }
0xaf: {  	[dreg:$0x3] =	wrdreg s24  }
0xb0: {  	[dreg:$0x4] =	wrdreg $0x68000  }
0xb1: {  	[dreg:$0x5] =	wrdreg $0x9  }
0xb2: {  	_ =	task.clear_ibuf [dreg:s7], $0x6FFFF;
	_ =	strace $0x90000046  }
0xb3: {  	s29 =	simm.s32 $0x9;
	_ =	strace $0x80000048  }
0xb4: {  	_ =	swait.ge [sflag:s29], $0x1  }
0xb5: {  	[sflag:s29] =	ssyncadd.s32 $0xFFFFFFFF  }
0xb6: {  	_ =	strace $0x90000048  }
0xb7: {  	_ =	sfence  }
0xb8: {  	s30 =	sld [smem:$0x0];
	_ =	sdelay $0x2  }
0xb9: {  	s31 =	sshll.u32 s1, $0xD;
	s1 =	sshrl.u32 s1, $0x2  }
0xba: {  	s3 =	sand.u32 $0x4000, s31;
	s1 =	sadd.s32 s1, s30  }
0xbb: {  	s0 =	sor.u32 s3, s0;
	s1 =	sshll.u32 s1, $0x11  }
0xbc: {  	s0 =	sor.u32 s1, s0  }
0xbd: {  	s0 =	sadd.s32 $0x8F2B, s0  }
0xbe: {  	[sflag:s0] =	ssyncadd.remote.s32 $0x1  }
0xbf: {  	_ =	sfence.sel $0xFFFF  }
0xc0: {  	[dreg:$0x0] =	wrdreg $0xFFFFFFFF;
	(pc) =	sbr.abs _section_cstart, $3  }
0xc1: {  	[dreg:$0x1] =	wrdreg $0xFFFFFFFF  }
0xc2: {  	_ =	task.clear_ibuf [dreg:s7], $0x2FFFF;
	_ =	strace $0x9FFFFFFF  }
0xc3: {  	(tm) =	ssettm $0x7FFFFFFF  }
tec
execute0_lowered:
.L_overlay_start_1:
0x0: {  	(tag) =	ssettag $0x1  }
0x1: {  	s7 =	rddreg [dreg:$0x0]  }
0x2: {  	s5 =	rddreg [dreg:$0x1];
	s0 =	stileid.u32  }
0x3: {  	s1 =	srdreg.scid;
	s2 =	rddreg [dreg:$0x2]  }
0x4: {  	s3 =	simm.s32 $0x0;
	s13 =	simm.s32 $0x80;
	s14 =	simm.s32 $0x0  }
0x5: {  	s4 =	smul.u32 $0x13C00, s0;
	s6 =	sand.u32 $0x1, s1;
	s1 =	rddreg [dreg:$0x3]  }
0x6: {  	[smem:$0x7FF] =	sst s3;
	s11 =	smul.u32 $0x4F000, s0;
	s12 =	sshll.u32 s0, $0x1  }
0x7: {  	s31 =	sshll.u32 s0, $0x6;
	s8 =	smul.u32 $0x13C000, s6;
	_ =	strace $0x80000047  }
0x8: {  	s10 =	ssub.s32 $0x2, s6;
	s6 =	sor.u32 s6, s12;
	s12 =	simm.s32 $0x2800  }
0x9: {  	s9 =	sshrl.u32 s4, $0x3;
	s26 =	sshrl.u32 s10, $0x1;
	s28 =	sshrl.u32 s11, $0x2  }
0xa: {  	s29 =	smul.u32 $0x500, s6;
	s6 =	sor.u32 $0x1C01, s31;
	s11 =	simm.s32 $0x1  }
0xb: {  	s8 =	sadd.s32 s4, s8;
	s9 =	sadd.s32 s9, s5;
	s4 =	sadd.s32 $0x29600, s5  }
0xc: {  	s10 =	ssub.s32 s10, s26;
	s30 =	sadd.s32 s28, s2;
	s8 =	sshrl.u32 s8, $0x3  }
0xd: {  	s7 =	sadd.s32 s7, s29;
	s8 =	sadd.s32 s8, s5;
	s5 =	sadd.s32 $0x1E00, s9  }
0xe: {  	s9 =	smax.u32 s10, $0x1;
	s10 =	sshrl.u32 s30, $0x3;
	s8 =	sadd.s32 $0x29E00, s8  }
.LBB2_1:
0xf: {  	[spmem:s10], [sflag:s6] =	dma.local [hbm:s5], $0x2780  }
0x10: {  	_ =	swait.ge [sflag:s11], $0x2780  }
0x11: {  	[sflag:s11] =	ssyncset.done $0x0  }
0x12: {  	[sflag:s11] =	ssyncadd.s32 $0xFFFFD880  }
0x13: {  	[tilespmem:s3], [sflag:$0x1] =	stream.linear.gather [hbm4b:s7+s3], $0x2800, $0x38;
	[tilespmem:$0x1A400] =	vst v63  }
0x14: {  	_ =	swait.ge [sflag:s11], $0x2800  }
0x15: {  	[sflag:s11] =	ssyncset.done $0x0  }
0x16: {  	[sflag:s11] =	ssyncadd.s32 $0xFFFFD800  }
0x17: {  	[tilespmem:s12], [sflag:$0x1] =	stream.linear.gather [hbm4b:s4+s3], $0x4000, $0x38;
	[tilespmem:$0x1A400] =	vst v63  }
0x18: {  	_ =	swait.ge [sflag:s11], $0x4000  }
0x19: {  	[sflag:s11] =	ssyncset.done $0x0  }
0x1a: {  	[sflag:s11] =	ssyncadd.s32 $0xFFFFC000  }
0x1b: {  	s15 =	simm.s32 $0x0;
	[bflag:$0x0] =	sbarrier.arrive $0xFFFF  }
0x1c: {  	[spmem:s2] =	stream.indirect.scatter.add.f32 [tilespmem:s12], [sflag:$0x1], $0x80, s15, s13, $0xb8;
	[tilespmem:$0x1A400] =	vst v63  }
0x1d: {  	_ =	swait.ge [sflag:s11], $0x4000  }
0x1e: {  	s15 =	simm.s32 $0x200;
	[sflag:s11] =	ssyncset.done $0x0  }
.LBB2_2:
0x1f: {  	s16 =	sshra.s32 s15, $0x2;
	[sflag:s11] =	ssyncadd.s32 $0xFFFFC000;
	p0 =	sne.s32 s15, $0x9E00  }
0x20: {  	[spmem:s2] =	stream.indirect.scatter.add.f32 [tilespmem:s12], [sflag:$0x1], $0x80, s16, s13, $0xb8;
	[tilespmem:$0x1A400] =	vst v63  }
.Ltmp0:
0x21: {  	_ = 	snop;
	(pc) =	sbr.rel @p0 .LBB2_2-.Ltmp0, $4  }
0x22: {  	_ = 	snop  }
0x23: {  	s15 =	sadd.s32 $0x200, s15  }
0x24: {  	_ =	swait.ge [sflag:s11], $0x4000  }
0x25: {  	[sflag:s11] =	ssyncset.done $0x0  }
0x26: {  	s14 =	sadd.s32 $0x1, s14  }
0x27: {  	[sflag:s11] =	ssyncadd.s32 $0xFFFFC000;
	p0 =	sne.s32 s14, s9  }
.Ltmp1:
0x28: {  	[bflag:$0x0] =	sbarrier.arrive $0xFFFF;
	(pc) =	sbr.rel @p0 .LBB2_1-.Ltmp1, $4  }
0x29: {  	[hbm:s8], [sflag:s6] =	dma.local [spmem:s10], $0x2780  }
0x2a: {  	_ =	swait.ge [sflag:s11], $0x2780  }
0x2b: {  	[sflag:s11] =	ssyncset.done $0x0  }
0x2c: {  	[sflag:s11] =	ssyncadd.s32 $0xFFFFD880  }
0x2d: {  	_ =	sfence.sel $0x180000  }
0x2e: {  	[bflag:$0x0] =	sbarrier.arrive $0xFFFF  }
0x2f: {  	p0 =	sne.s32 s0, $0x0;
	_ =	strace $0x90000047  }
0x30: {  	s0 =	sadd.s32 @!p0 $0x100000, s1;
	[bflag:$0x2] =	sbarrier.arrive $0xFFFF  }
0x31: {  	[sflag:s0] =	ssyncadd.tile.s32 @!p0 $0x1;
	_ =	shalt  }
.Lfunc_end2:
_tile_overlayer_lowered:
.L_overlay_start_2:
0x32: {  	(tag) =	ssettag $0x2  }
0x33: {  	s0 =	rddreg [dreg:$0x0];
	s2 =	stileid.u32  }
0x34: {  	s1 =	rddreg [dreg:$0x1];
	p0 =	sne.s32 s2, $0x0  }
0x35: {  	s3 =	rddreg [dreg:$0x2];
	[bflag:$0x3] =	sbarrier.arrive $0xFFFF;
	s2 =	simm.s32 @!p0 $0x1C01  }
0x36: {  	[timem:s3], [sflag:s2] =	dma.local @!p0 [hbm:s0], s1  }
0x37: {  	s0 =	simm.s32 @!p0 $0x1  }
0x38: {  	_ =	swait.ge @!p0 [sflag:s0], s1  }
0x39: {  	s1 =	ssub.s32 @!p0 $0x0, s1;
	[sflag:s0] =	ssyncset.done @!p0 $0x0  }
0x3a: {  	[sflag:s0] =	ssyncadd.s32 @!p0 s1  }
0x3b: {  	[bflag:$0x3] =	sbarrier.arrive $0xFFFF  }
0x3c: {  	_ =	shalt  }

</sc_bundles>
